<compile_context>
chip_gen: v7x
topology: tpu7x:2x2x1
jax: 0.10.2.dev20260603
libtpu: 0.0.44.dev20260713+nightly
codegen_flags: <defaults>
</compile_context>

<pallas_src>
import functools

import jax
import jax.numpy as jnp
from jax import lax
from jax.experimental import pallas as pl
from jax.experimental.pallas import tpu as pltpu
from jax.experimental.pallas import tpu_sc as plsc

N = 10000
E = 320000
IN_DIM = 128
HID = 32
EMB = 32
R3 = 3 * N
TROWS = R3 + 8
NW = 32
BM = 128
BC = 128
CH = 240
CC = 80
NB = 8
ARM = 30080
ARC = 10112
TRASHM = 30000
TRASHC = 10000

_SC_PARAMS = pltpu.CompilerParams(use_tc_tiling_on_sc=False)


def _make_sc_main(ch, ar):
    rpt = ar // 16
    _MESH = plsc.VectorSubcoreMesh(core_axis_name="c", subcore_axis_name="s")

    @functools.partial(
        pl.kernel,
        out_type=jax.ShapeDtypeStruct((2, ar, HID), jnp.float32),
        mesh=_MESH,
        scratch_types=[
            pltpu.VMEM((ch, BM), jnp.int32),
            pltpu.VMEM((ch, BM), jnp.int32),
            pltpu.VMEM((BM, HID), jnp.float32),
            pltpu.VMEM_SHARED((ar, HID), jnp.float32),
            pltpu.SemaphoreType.DMA,
        ],
        compiler_params=_SC_PARAMS,
    )
    def sc_main(t_hbm, g_hbm, s_hbm, z_hbm, out_hbm, gidx, sidx, rows,
                acc, sem):
        c = lax.axis_index("c")
        s = lax.axis_index("s")
        w = c * 16 + s

        pltpu.sync_copy(z_hbm, acc.at[pl.ds(s * rpt, rpt)])
        pltpu.sync_copy(g_hbm.at[w], gidx)
        pltpu.sync_copy(s_hbm.at[w], sidx)
        plsc.subcore_barrier()

        def body(j, carry):
            pltpu.async_copy(t_hbm.at[gidx.at[j]], rows, sem).wait()
            pltpu.sync_copy(rows, acc.at[sidx.at[j]], add=True)
            return carry

        lax.fori_loop(0, ch, body, 0)
        plsc.subcore_barrier()

        pltpu.sync_copy(acc.at[pl.ds(s * rpt, rpt)],
                        out_hbm.at[c, pl.ds(s * rpt, rpt)])

    return sc_main


def _make_sc_counts(cc, ar):
    rpt = ar // 16
    _MESH = plsc.VectorSubcoreMesh(core_axis_name="c", subcore_axis_name="s")

    @functools.partial(
        pl.kernel,
        out_type=jax.ShapeDtypeStruct((2, ar, HID), jnp.float32),
        mesh=_MESH,
        scratch_types=[
            pltpu.VMEM((cc, BC), jnp.int32),
            pltpu.VMEM((BC, HID), jnp.float32),
            pltpu.VMEM_SHARED((ar, HID), jnp.float32),
        ],
        compiler_params=_SC_PARAMS,
    )
    def sc_counts(ones_hbm, c_hbm, z_hbm, out_hbm, cidx, rows, acc):
        c = lax.axis_index("c")
        s = lax.axis_index("s")
        w = c * 16 + s

        pltpu.sync_copy(z_hbm, acc.at[pl.ds(s * rpt, rpt)])
        pltpu.sync_copy(c_hbm.at[w], cidx)
        pltpu.sync_copy(ones_hbm, rows)
        plsc.subcore_barrier()

        def body(j, carry):
            pltpu.sync_copy(rows, acc.at[cidx.at[j]], add=True)
            return carry

        lax.fori_loop(0, cc, body, 0)
        plsc.subcore_barrier()
        pltpu.sync_copy(acc.at[pl.ds(s * rpt, rpt)],
                        out_hbm.at[c, pl.ds(s * rpt, rpt)])

    return sc_counts


_sc_main = functools.cache(lambda: _make_sc_main(CH, ARM))
_sc_counts = functools.cache(lambda: _make_sc_counts(CC, ARC))



RB = 1000


def _rb(a):
    return a.astype(jnp.bfloat16).astype(jnp.float32)


def _dot(a, b):
    return jnp.dot(_rb(a), _rb(b), preferred_element_type=jnp.float32,
                   precision=jax.lax.Precision.HIGHEST)


def _tc_in_body(x_ref, w_ref, b_ref, o_ref):
    o_ref[...] = _rb(jnp.maximum(_dot(x_ref[...], w_ref[...]) + b_ref[...], 0.0))


_tc_in = pl.pallas_call(
    _tc_in_body,
    grid=(R3 // RB,),
    in_specs=[
        pl.BlockSpec((RB, IN_DIM), lambda i: (i, 0)),
        pl.BlockSpec((IN_DIM, HID), lambda i: (0, 0)),
        pl.BlockSpec((1, HID), lambda i: (0, 0)),
    ],
    out_specs=pl.BlockSpec((RB, HID), lambda i: (i, 0)),
    out_shape=jax.ShapeDtypeStruct((R3, HID), jnp.float32),
)


def _tc_update_body(h_ref, p_ref, pc_ref, mw_ref, mb_ref, uw_ref, ub_ref,
                    ho_ref):
    h = h_ref[...]
    S = p_ref[0] + p_ref[1]
    cnt = pc_ref[0, :, 0:1] + pc_ref[1, :, 0:1]
    mw = mw_ref[...]
    uw = uw_ref[...]
    hw = _dot(h, mw[:HID])
    sw = jnp.dot(S, _rb(mw[HID:]), preferred_element_type=jnp.float32,
                 precision=jax.lax.Precision.HIGHEST)
    summed = hw * cnt + sw + cnt * mb_ref[...]
    aggr = summed / jnp.maximum(cnt, 1.0)
    ho_ref[...] = _rb(jnp.maximum(
        _dot(h, uw[:HID]) + _dot(aggr, uw[HID:]) + ub_ref[...], 0.0))


_tc_update = pl.pallas_call(
    _tc_update_body,
    grid=(R3 // RB,),
    in_specs=[
        pl.BlockSpec((RB, HID), lambda i: (i, 0)),
        pl.BlockSpec((2, RB, HID), lambda i: (0, i, 0)),
        pl.BlockSpec((2, RB, HID), lambda i: (0, i % (N // RB), 0)),
        pl.BlockSpec((2 * HID, HID), lambda i: (0, 0)),
        pl.BlockSpec((1, HID), lambda i: (0, 0)),
        pl.BlockSpec((2 * HID, HID), lambda i: (0, 0)),
        pl.BlockSpec((1, HID), lambda i: (0, 0)),
    ],
    out_specs=pl.BlockSpec((RB, HID), lambda i: (i, 0)),
    out_shape=jax.ShapeDtypeStruct((R3, HID), jnp.float32),
)


def _tc_out_body(h0_ref, h1_ref, h2_ref, w_ref, b_ref, cz_ref, u_ref):
    w = w_ref[...]
    b = b_ref[...]
    cz_ref[...] = _dot(h0_ref[...], w) + b
    z1 = _dot(h1_ref[...], w) + b
    z2 = _dot(h2_ref[...], w) + b
    mean = (z1 + z2) * 0.5
    c1 = z1 - mean
    c2 = z2 - mean
    sq = (jnp.sum(c1 * c1, axis=1, keepdims=True)
          + jnp.sum(c2 * c2, axis=1, keepdims=True))
    u_ref[...] = jnp.maximum(sq, 1e-6)


_tc_out = pl.pallas_call(
    _tc_out_body,
    grid=(N // RB,),
    in_specs=[
        pl.BlockSpec((RB, HID), lambda i: (i, 0)),
        pl.BlockSpec((RB, HID), lambda i: (N // RB + i, 0)),
        pl.BlockSpec((RB, HID), lambda i: (2 * N // RB + i, 0)),
        pl.BlockSpec((HID, EMB), lambda i: (0, 0)),
        pl.BlockSpec((1, EMB), lambda i: (0, 0)),
    ],
    out_specs=[
        pl.BlockSpec((RB, EMB), lambda i: (i, 0)),
        pl.BlockSpec((RB, 1), lambda i: (i, 0)),
    ],
    out_shape=[
        jax.ShapeDtypeStruct((N, EMB), jnp.float32),
        jax.ShapeDtypeStruct((N, 1), jnp.float32),
    ],
)


def _tile_slabs(a, per_tile, chunks, b, pad_val):
    a = a.reshape(NW, per_tile)
    a = jnp.pad(a, ((0, 0), (0, chunks * b - per_tile)),
                constant_values=pad_val)
    return a.reshape(NW, chunks, b)


def kernel(x, edge_index, parent_mask, W_in, b_in, mW0, mb0, uW0, ub0,
           mW1, mb1, uW1, ub1, W_out, b_out):
    src = edge_index[0]
    dst = edge_index[1]
    m = parent_mask

    nk = jax.random.key(42)
    n0 = jax.random.normal(jax.random.fold_in(nk, 0), (N, IN_DIM), jnp.float32)
    n1 = jax.random.normal(jax.random.fold_in(nk, 1), (N, IN_DIM), jnp.float32)
    x3 = jnp.concatenate([x, x + 0.1 * n0, x + 0.1 * n1], axis=0)

    g_main = jnp.concatenate([src, src + N, src + 2 * N])
    g3d = _tile_slabs(g_main, 3 * E // NW, CH, BM, R3)
    s_main = jnp.concatenate([jnp.where(m, dst, TRASHM),
                              jnp.where(m, dst + N, TRASHM),
                              jnp.where(m, dst + 2 * N, TRASHM)]).astype(jnp.int32)
    s3d = _tile_slabs(s_main, 3 * E // NW, CH, BM, TRASHM)
    c1 = jnp.where(m, dst, TRASHC).astype(jnp.int32)
    c3d = _tile_slabs(c1, E // NW, CC, BC, TRASHC)

    ones_b = jnp.ones((BC, HID), jnp.float32)
    zm = jnp.zeros((ARM // 16, HID), jnp.float32)
    zc = jnp.zeros((ARC // 16, HID), jnp.float32)
    tail = jnp.concatenate([jnp.ones((1, HID), jnp.float32),
                            jnp.zeros((7, HID), jnp.float32)], axis=0)

    b_in2 = b_in.reshape(1, HID)
    mb0r = mb0.reshape(1, HID)
    ub0r = ub0.reshape(1, HID)
    mb1r = mb1.reshape(1, HID)
    ub1r = ub1.reshape(1, HID)
    b_out2 = b_out.reshape(1, EMB)

    h = _tc_in(x3, W_in, b_in2)
    pc = _sc_counts()(ones_b, c3d, zc)

    t0 = jnp.concatenate([h, tail], axis=0)
    p1 = _sc_main()(t0, g3d, s3d, zm)
    h = _tc_update(h, p1, pc, mW0, mb0r, uW0, ub0r)

    t1 = jnp.concatenate([h, tail], axis=0)
    p2 = _sc_main()(t1, g3d, s3d, zm)
    h = _tc_update(h, p2, pc, mW1, mb1r, uW1, ub1r)

    cz, u = _tc_out(h, h, h, W_out, b_out2)
    return cz, u[:, 0]

# --- scband reference (transcript-rebuilt; emitter-appended) ---
"""Pipeline reference for scband-causal-embedding-updater-51187420234436 (READ-ONLY COPY).

The authoritative reference and input builder live on the scoring server;
editing this copy changes nothing except your own understanding.
"""

import jax, jax.numpy as jnp
import numpy as np

N = 10000
E = 320000
IN_DIM = 128
HID = 32
EMB = 32
MC_SAMPLES = 2
MIN_U = 1e-06


def _xavier(key, shape):
    fan_in, fan_out = shape[0], shape[1]
    limit = float(np.sqrt(6.0 / (fan_in + fan_out)))
    return jax.random.uniform(key, shape, dtype=jnp.float32, minval=-limit, maxval=limit)


def setup_inputs(seed: int = 0) -> dict:
    key = jax.random.key(seed)
    ks = jax.random.split(key, 16)
    x = jax.random.normal(ks[0], (N, IN_DIM), dtype=jnp.float32)
    edge_index = jax.random.randint(ks[1], (2, E), 0, N, dtype=jnp.int32)
    parent_mask = jax.random.randint(ks[2], (E,), 0, 2, dtype=jnp.int32).astype(bool)
    inp = {
        'x': x,
        'edge_index': edge_index,
        'parent_mask': parent_mask,
        'W_in': _xavier(ks[3], (IN_DIM, HID)),
        'b_in': jnp.zeros((HID,), jnp.float32),
        'mW0': _xavier(ks[4], (2 * HID, HID)),
        'mb0': jnp.zeros((HID,), jnp.float32),
        'uW0': _xavier(ks[5], (2 * HID, HID)),
        'ub0': jnp.zeros((HID,), jnp.float32),
        'mW1': _xavier(ks[6], (2 * HID, HID)),
        'mb1': jnp.zeros((HID,), jnp.float32),
        'uW1': _xavier(ks[7], (2 * HID, HID)),
        'ub1': jnp.zeros((HID,), jnp.float32),
        'W_out': _xavier(ks[8], (HID, EMB)),
        'b_out': jnp.zeros((EMB,), jnp.float32),
    }
    return inp


def _mp_layer(h, src, dst, mask_f, Wm, bm, Wu, bu):
    # message: proj(cat([x_i, x_j])) where x_i = target, x_j = source (PyG convention)
    x_i = h[dst]
    x_j = h[src]
    msg = jnp.concatenate([x_i, x_j], axis=-1) @ Wm + bm
    msg = msg * mask_f[:, None]
    summed = jax.ops.segment_sum(msg, dst, num_segments=h.shape[0])
    counts = jax.ops.segment_sum(mask_f, dst, num_segments=h.shape[0])
    aggr = summed / jnp.maximum(counts, 1.0)[:, None]
    # update: proj(cat([x, aggr_out]))
    return jnp.concatenate([h, aggr], axis=-1) @ Wu + bu


def _embed(x, src, dst, mask_f, params):
    (W_in, b_in, mW0, mb0, uW0, ub0, mW1, mb1, uW1, ub1, W_out, b_out) = params
    h = jax.nn.relu(x @ W_in + b_in)
    h = jax.nn.relu(_mp_layer(h, src, dst, mask_f, mW0, mb0, uW0, ub0))
    h = jax.nn.relu(_mp_layer(h, src, dst, mask_f, mW1, mb1, uW1, ub1))
    return h @ W_out + b_out


def reference(x, edge_index, parent_mask, W_in, b_in, mW0, mb0, uW0, ub0, mW1, mb1, uW1, ub1, W_out, b_out):
    src = edge_index[0]
    dst = edge_index[1]
    params = (W_in, b_in, mW0, mb0, uW0, ub0, mW1, mb1, uW1, ub1, W_out, b_out)
    ones_mask = jnp.ones((E,), jnp.float32)
    mask_f = parent_mask.astype(jnp.float32)
    # base embedding (all edges)
    base_z = _embed(x, src, dst, ones_mask, params)
    # causal embedding (parent edges only)
    causal_z = _embed(x, src, dst, mask_f, params)
    # MC uncertainty estimate (Eq. 5.3)
    noise_key = jax.random.key(42)
    zs = []
    for s in range(MC_SAMPLES):
        noise = jax.random.normal(jax.random.fold_in(noise_key, s), x.shape, dtype=jnp.float32)
        x_p = x + noise * 0.1
        zs.append(_embed(x_p, src, dst, mask_f, params))
    z_mc = jnp.stack(zs, axis=0)
    mean_mc = z_mc.mean(axis=0)
    centered = z_mc - mean_mc[None]
    sq = jnp.sum(centered * centered, axis=2)
    u = sq.sum(axis=0) / (MC_SAMPLES - 1)
    u = jnp.maximum(u, MIN_U)
    return (causal_z, u)

if __name__ == "__main__":
    import jax
    _d = setup_inputs()
    print(jax.jit(kernel)(*tuple(_d.values())))

</pallas_src>

<mosaic_0001>
#map = affine_map<(d0, d1) -> (0, 0)>
#map1 = affine_map<(d0, d1) -> (0, 0, 0)>
module attributes {stable_mosaic.version = 14 : i64} {
  func.func @sc_main(%arg0: i32, %arg1: i32, %arg2: memref<30008x32xf32, #tpu.memory_space<hbm>>, %arg3: memref<32x240x128xi32, #tpu.memory_space<hbm>>, %arg4: memref<32x240x128xi32, #tpu.memory_space<hbm>>, %arg5: memref<1880x32xf32, #tpu.memory_space<hbm>>, %arg6: memref<2x30080x32xf32, #tpu.memory_space<hbm>>, %arg7: memref<240x128xi32, #tpu.memory_space<vmem>>, %arg8: memref<240x128xi32, #tpu.memory_space<vmem>>, %arg9: memref<128x32xf32, #tpu.memory_space<vmem>>, %arg10: memref<30080x32xf32, #tpu.memory_space<vmem_shared>>, %arg11: memref<!tpu.dma_semaphore, #tpu.memory_space<semaphore_mem>>) attributes {dimension_semantics = [#tpu.dimension_semantics<core_parallel>, #tpu.dimension_semantics<subcore_parallel>], iteration_bounds = array<i64: 2, 16>, scalar_prefetch = 0 : i64, scratch_operands = 5 : i64, tpu.core_type = #tpu.core_type<sc_vector_subcore>, window_params = [{transform_indices = #map}, {transform_indices = #map1}, {transform_indices = #map1}, {transform_indices = #map}, {transform_indices = #map1}]} {
    %mul3A = arith.constant 16 : i32
    %mul3A_0 = arith.muli %arg0, %mul3A : i32
    %add3A = arith.addi %mul3A_0, %arg1 : i32
    %mul3A_1 = arith.constant 1880 : i32
    %mul3A_2 = arith.muli %arg1, %mul3A_1 : i32
    "tpu.region"() ({
      %run_scoped3A = tpu.sem_alloc : memref<!tpu.dma_semaphore, #tpu.memory_space<semaphore_mem>>
      %dma_start3A = arith.constant 0 : i32
      %dma_start3A_13 = tpu.memref_slice %arg10[%mul3A_2, %dma_start3A] : memref<30080x32xf32, #tpu.memory_space<vmem_shared>> -> memref<1880x32xf32, #tpu.memory_space<vmem_shared>>
      tpu.enqueue_dma source(%arg5 : memref<1880x32xf32, #tpu.memory_space<hbm>>) target(%dma_start3A_13 : memref<1880x32xf32, #tpu.memory_space<vmem_shared>>) target_semaphore(%run_scoped3A : memref<!tpu.dma_semaphore, #tpu.memory_space<semaphore_mem>>)
      %dma_wait3A = arith.constant 0 : i32
      %dma_wait3A_14 = tpu.memref_slice %arg10[%mul3A_2, %dma_wait3A] : memref<30080x32xf32, #tpu.memory_space<vmem_shared>> -> memref<1880x32xf32, #tpu.memory_space<vmem_shared>>
      tpu.wait_dma2 semaphore(%run_scoped3A : memref<!tpu.dma_semaphore, #tpu.memory_space<semaphore_mem>>) src(%arg5 : memref<1880x32xf32, #tpu.memory_space<hbm>>) dst(%dma_wait3A_14 : memref<1880x32xf32, #tpu.memory_space<vmem_shared>>)
      tpu.yield
    }) : () -> ()
    "tpu.region"() ({
      %run_scoped3A = tpu.sem_alloc : memref<!tpu.dma_semaphore, #tpu.memory_space<semaphore_mem>>
      %dma_start3A = arith.constant 0 : i32
      %dma_start3A_13 = arith.constant 0 : i32
      %dma_start3A_14 = tpu.memref_slice %arg3[%add3A, %dma_start3A, %dma_start3A_13] : memref<32x240x128xi32, #tpu.memory_space<hbm>> -> memref<1x240x128xi32, #tpu.memory_space<hbm>>
      %dma_start3A_15 = tpu.memref_squeeze %dma_start3A_14 : memref<1x240x128xi32, #tpu.memory_space<hbm>> -> memref<240x128xi32, #tpu.memory_space<hbm>>
      %dma_start3A_16 = arith.constant 0 : i32
      %dma_start3A_17 = arith.constant 0 : i32
      %dma_start3A_18 = tpu.memref_slice %arg3[%add3A, %dma_start3A_16, %dma_start3A_17] : memref<32x240x128xi32, #tpu.memory_space<hbm>> -> memref<1x240x128xi32, #tpu.memory_space<hbm>>
      %dma_start3A_19 = tpu.memref_squeeze %dma_start3A_18 : memref<1x240x128xi32, #tpu.memory_space<hbm>> -> memref<240x128xi32, #tpu.memory_space<hbm>>
      tpu.enqueue_dma source(%dma_start3A_19 : memref<240x128xi32, #tpu.memory_space<hbm>>) target(%arg7 : memref<240x128xi32, #tpu.memory_space<vmem>>) target_semaphore(%run_scoped3A : memref<!tpu.dma_semaphore, #tpu.memory_space<semaphore_mem>>)
      %dma_wait3A = arith.constant 0 : i32
      %dma_wait3A_20 = arith.constant 0 : i32
      %dma_wait3A_21 = tpu.memref_slice %arg3[%add3A, %dma_wait3A, %dma_wait3A_20] : memref<32x240x128xi32, #tpu.memory_space<hbm>> -> memref<1x240x128xi32, #tpu.memory_space<hbm>>
      %dma_wait3A_22 = tpu.memref_squeeze %dma_wait3A_21 : memref<1x240x128xi32, #tpu.memory_space<hbm>> -> memref<240x128xi32, #tpu.memory_space<hbm>>
      %dma_wait3A_23 = arith.constant 0 : i32
      %dma_wait3A_24 = arith.constant 0 : i32
      %dma_wait3A_25 = tpu.memref_slice %arg3[%add3A, %dma_wait3A_23, %dma_wait3A_24] : memref<32x240x128xi32, #tpu.memory_space<hbm>> -> memref<1x240x128xi32, #tpu.memory_space<hbm>>
      %dma_wait3A_26 = tpu.memref_squeeze %dma_wait3A_25 : memref<1x240x128xi32, #tpu.memory_space<hbm>> -> memref<240x128xi32, #tpu.memory_space<hbm>>
      tpu.wait_dma2 semaphore(%run_scoped3A : memref<!tpu.dma_semaphore, #tpu.memory_space<semaphore_mem>>) src(%dma_wait3A_26 : memref<240x128xi32, #tpu.memory_space<hbm>>) dst(%arg7 : memref<240x128xi32, #tpu.memory_space<vmem>>)
      tpu.yield
    }) : () -> ()
    "tpu.region"() ({
      %run_scoped3A = tpu.sem_alloc : memref<!tpu.dma_semaphore, #tpu.memory_space<semaphore_mem>>
      %dma_start3A = arith.constant 0 : i32
      %dma_start3A_13 = arith.constant 0 : i32
      %dma_start3A_14 = tpu.memref_slice %arg4[%add3A, %dma_start3A, %dma_start3A_13] : memref<32x240x128xi32, #tpu.memory_space<hbm>> -> memref<1x240x128xi32, #tpu.memory_space<hbm>>
      %dma_start3A_15 = tpu.memref_squeeze %dma_start3A_14 : memref<1x240x128xi32, #tpu.memory_space<hbm>> -> memref<240x128xi32, #tpu.memory_space<hbm>>
      %dma_start3A_16 = arith.constant 0 : i32
      %dma_start3A_17 = arith.constant 0 : i32
      %dma_start3A_18 = tpu.memref_slice %arg4[%add3A, %dma_start3A_16, %dma_start3A_17] : memref<32x240x128xi32, #tpu.memory_space<hbm>> -> memref<1x240x128xi32, #tpu.memory_space<hbm>>
      %dma_start3A_19 = tpu.memref_squeeze %dma_start3A_18 : memref<1x240x128xi32, #tpu.memory_space<hbm>> -> memref<240x128xi32, #tpu.memory_space<hbm>>
      tpu.enqueue_dma source(%dma_start3A_19 : memref<240x128xi32, #tpu.memory_space<hbm>>) target(%arg8 : memref<240x128xi32, #tpu.memory_space<vmem>>) target_semaphore(%run_scoped3A : memref<!tpu.dma_semaphore, #tpu.memory_space<semaphore_mem>>)
      %dma_wait3A = arith.constant 0 : i32
      %dma_wait3A_20 = arith.constant 0 : i32
      %dma_wait3A_21 = tpu.memref_slice %arg4[%add3A, %dma_wait3A, %dma_wait3A_20] : memref<32x240x128xi32, #tpu.memory_space<hbm>> -> memref<1x240x128xi32, #tpu.memory_space<hbm>>
      %dma_wait3A_22 = tpu.memref_squeeze %dma_wait3A_21 : memref<1x240x128xi32, #tpu.memory_space<hbm>> -> memref<240x128xi32, #tpu.memory_space<hbm>>
      %dma_wait3A_23 = arith.constant 0 : i32
      %dma_wait3A_24 = arith.constant 0 : i32
      %dma_wait3A_25 = tpu.memref_slice %arg4[%add3A, %dma_wait3A_23, %dma_wait3A_24] : memref<32x240x128xi32, #tpu.memory_space<hbm>> -> memref<1x240x128xi32, #tpu.memory_space<hbm>>
      %dma_wait3A_26 = tpu.memref_squeeze %dma_wait3A_25 : memref<1x240x128xi32, #tpu.memory_space<hbm>> -> memref<240x128xi32, #tpu.memory_space<hbm>>
      tpu.wait_dma2 semaphore(%run_scoped3A : memref<!tpu.dma_semaphore, #tpu.memory_space<semaphore_mem>>) src(%dma_wait3A_26 : memref<240x128xi32, #tpu.memory_space<hbm>>) dst(%arg8 : memref<240x128xi32, #tpu.memory_space<vmem>>)
      tpu.yield
    }) : () -> ()
    %barrier3A = arith.constant 0 : index
    tpu.barrier barrier_id(%barrier3A)
    %scan3A = arith.constant 0 : i32
    %scan3A_3 = arith.constant 0 : i32
    %scan3A_4 = arith.constant 240 : i32
    %scan3A_5 = arith.addi %scan3A_3, %scan3A_4 : i32
    %scan3A_6 = arith.constant 1 : i32
    scf.for %scan3A_13 = %scan3A_3 to %scan3A_5 step %scan3A_6  : i32 {
      %dma_start3A = arith.constant 0 : i32
      %dma_start3A_14 = tpu.memref_slice %arg7[%scan3A_13, %dma_start3A] : memref<240x128xi32, #tpu.memory_space<vmem>> -> memref<1x128xi32, #tpu.memory_space<vmem>>
      %dma_start3A_15 = tpu.memref_squeeze %dma_start3A_14 : memref<1x128xi32, #tpu.memory_space<vmem>> -> memref<128xi32, #tpu.memory_space<vmem>>
      %dma_start3A_16 = arith.constant 0 : i32
      %dma_start3A_17 = arith.constant 0 : i32
      %dma_start3A_18 = tpu.memref_slice %arg2[%dma_start3A_16, %dma_start3A_17] : memref<30008x32xf32, #tpu.memory_space<hbm>> -> memref<30008x32xf32, #tpu.memory_space<hbm>>
      tpu.enqueue_indirect_dma source(%dma_start3A_18 : memref<30008x32xf32, #tpu.memory_space<hbm>>) target(%arg9 : memref<128x32xf32, #tpu.memory_space<vmem>>) offsets(%dma_start3A_15 : memref<128xi32, #tpu.memory_space<vmem>>) semaphore(%arg11 : memref<!tpu.dma_semaphore, #tpu.memory_space<semaphore_mem>>)
      %dma_wait3A = arith.constant 0 : i32
      %dma_wait3A_19 = tpu.memref_slice %arg7[%scan3A_13, %dma_wait3A] : memref<240x128xi32, #tpu.memory_space<vmem>> -> memref<1x128xi32, #tpu.memory_space<vmem>>
      %dma_wait3A_20 = tpu.memref_squeeze %dma_wait3A_19 : memref<1x128xi32, #tpu.memory_space<vmem>> -> memref<128xi32, #tpu.memory_space<vmem>>
      %dma_wait3A_21 = arith.constant 0 : i32
      %dma_wait3A_22 = arith.constant 0 : i32
      %dma_wait3A_23 = tpu.memref_slice %arg2[%dma_wait3A_21, %dma_wait3A_22] : memref<30008x32xf32, #tpu.memory_space<hbm>> -> memref<30008x32xf32, #tpu.memory_space<hbm>>
      tpu.wait_indirect_dma semaphore(%arg11 : memref<!tpu.dma_semaphore, #tpu.memory_space<semaphore_mem>>) src(%dma_wait3A_23 : memref<30008x32xf32, #tpu.memory_space<hbm>>) dst(%arg9 : memref<128x32xf32, #tpu.memory_space<vmem>>)
      "tpu.region"() ({
        %run_scoped3A = tpu.sem_alloc : memref<!tpu.dma_semaphore, #tpu.memory_space<semaphore_mem>>
        %dma_start3A_24 = arith.constant 0 : i32
        %dma_start3A_25 = tpu.memref_slice %arg8[%scan3A_13, %dma_start3A_24] : memref<240x128xi32, #tpu.memory_space<vmem>> -> memref<1x128xi32, #tpu.memory_space<vmem>>
        %dma_start3A_26 = tpu.memref_squeeze %dma_start3A_25 : memref<1x128xi32, #tpu.memory_space<vmem>> -> memref<128xi32, #tpu.memory_space<vmem>>
        %dma_start3A_27 = arith.constant 0 : i32
        %dma_start3A_28 = arith.constant 0 : i32
        %dma_start3A_29 = tpu.memref_slice %arg10[%dma_start3A_27, %dma_start3A_28] : memref<30080x32xf32, #tpu.memory_space<vmem_shared>> -> memref<30080x32xf32, #tpu.memory_space<vmem_shared>>
        tpu.enqueue_indirect_dma source(%arg9 : memref<128x32xf32, #tpu.memory_space<vmem>>) target(%dma_start3A_29 : memref<30080x32xf32, #tpu.memory_space<vmem_shared>>) offsets(%dma_start3A_26 : memref<128xi32, #tpu.memory_space<vmem>>) semaphore(%run_scoped3A : memref<!tpu.dma_semaphore, #tpu.memory_space<semaphore_mem>>) {add = true}
        %dma_wait3A_30 = arith.constant 0 : i32
        %dma_wait3A_31 = tpu.memref_slice %arg8[%scan3A_13, %dma_wait3A_30] : memref<240x128xi32, #tpu.memory_space<vmem>> -> memref<1x128xi32, #tpu.memory_space<vmem>>
        %dma_wait3A_32 = tpu.memref_squeeze %dma_wait3A_31 : memref<1x128xi32, #tpu.memory_space<vmem>> -> memref<128xi32, #tpu.memory_space<vmem>>
        %dma_wait3A_33 = arith.constant 0 : i32
        %dma_wait3A_34 = arith.constant 0 : i32
        %dma_wait3A_35 = tpu.memref_slice %arg10[%dma_wait3A_33, %dma_wait3A_34] : memref<30080x32xf32, #tpu.memory_space<vmem_shared>> -> memref<30080x32xf32, #tpu.memory_space<vmem_shared>>
        tpu.wait_indirect_dma semaphore(%run_scoped3A : memref<!tpu.dma_semaphore, #tpu.memory_space<semaphore_mem>>) src(%arg9 : memref<128x32xf32, #tpu.memory_space<vmem>>) dst(%dma_wait3A_35 : memref<30080x32xf32, #tpu.memory_space<vmem_shared>>)
        tpu.yield
      }) : () -> ()
    }
    %scan3A_7 = arith.constant 240 : i32
    %barrier3A_8 = arith.constant 0 : index
    tpu.barrier barrier_id(%barrier3A_8)
    %mul3A_9 = arith.constant 1880 : i32
    %mul3A_10 = arith.muli %arg1, %mul3A_9 : i32
    %mul3A_11 = arith.constant 1880 : i32
    %mul3A_12 = arith.muli %arg1, %mul3A_11 : i32
    "tpu.region"() ({
      %run_scoped3A = tpu.sem_alloc : memref<!tpu.dma_semaphore, #tpu.memory_space<semaphore_mem>>
      %dma_start3A = arith.constant 0 : i32
      %dma_start3A_13 = tpu.memref_slice %arg6[%arg0, %mul3A_12, %dma_start3A] : memref<2x30080x32xf32, #tpu.memory_space<hbm>> -> memref<1x1880x32xf32, #tpu.memory_space<hbm>>
      %dma_start3A_14 = tpu.memref_squeeze %dma_start3A_13 : memref<1x1880x32xf32, #tpu.memory_space<hbm>> -> memref<1880x32xf32, #tpu.memory_space<hbm>>
      %dma_start3A_15 = arith.constant 0 : i32
      %dma_start3A_16 = tpu.memref_slice %arg10[%mul3A_10, %dma_start3A_15] : memref<30080x32xf32, #tpu.memory_space<vmem_shared>> -> memref<1880x32xf32, #tpu.memory_space<vmem_shared>>
      tpu.enqueue_dma source(%dma_start3A_16 : memref<1880x32xf32, #tpu.memory_space<vmem_shared>>) target(%dma_start3A_14 : memref<1880x32xf32, #tpu.memory_space<hbm>>) target_semaphore(%run_scoped3A : memref<!tpu.dma_semaphore, #tpu.memory_space<semaphore_mem>>)
      %dma_wait3A = arith.constant 0 : i32
      %dma_wait3A_17 = tpu.memref_slice %arg6[%arg0, %mul3A_12, %dma_wait3A] : memref<2x30080x32xf32, #tpu.memory_space<hbm>> -> memref<1x1880x32xf32, #tpu.memory_space<hbm>>
      %dma_wait3A_18 = tpu.memref_squeeze %dma_wait3A_17 : memref<1x1880x32xf32, #tpu.memory_space<hbm>> -> memref<1880x32xf32, #tpu.memory_space<hbm>>
      %dma_wait3A_19 = arith.constant 0 : i32
      %dma_wait3A_20 = tpu.memref_slice %arg10[%mul3A_10, %dma_wait3A_19] : memref<30080x32xf32, #tpu.memory_space<vmem_shared>> -> memref<1880x32xf32, #tpu.memory_space<vmem_shared>>
      tpu.wait_dma2 semaphore(%run_scoped3A : memref<!tpu.dma_semaphore, #tpu.memory_space<semaphore_mem>>) src(%dma_wait3A_20 : memref<1880x32xf32, #tpu.memory_space<vmem_shared>>) dst(%dma_wait3A_18 : memref<1880x32xf32, #tpu.memory_space<hbm>>)
      tpu.yield
    }) : () -> ()
    return
  }
}

#map = affine_map<(d0, d1) -> (0, 0)>
#map1 = affine_map<(d0, d1) -> (0, 0, 0)>
module attributes {stable_mosaic.version = 14 : i64} {
  func.func @sc_main(%arg0: i32, %arg1: i32, %arg2: memref<30008x32xf32, #tpu.memory_space<hbm>>, %arg3: memref<32x240x128xi32, #tpu.memory_space<hbm>>, %arg4: memref<32x240x128xi32, #tpu.memory_space<hbm>>, %arg5: memref<1880x32xf32, #tpu.memory_space<hbm>>, %arg6: memref<2x30080x32xf32, #tpu.memory_space<hbm>>, %arg7: memref<240x128xi32, #tpu.memory_space<vmem>>, %arg8: memref<240x128xi32, #tpu.memory_space<vmem>>, %arg9: memref<128x32xf32, #tpu.memory_space<vmem>>, %arg10: memref<30080x32xf32, #tpu.memory_space<vmem_shared>>, %arg11: memref<!tpu.dma_semaphore, #tpu.memory_space<semaphore_mem>>) attributes {dimension_semantics = [#tpu.dimension_semantics<core_parallel>, #tpu.dimension_semantics<subcore_parallel>], iteration_bounds = array<i64: 2, 16>, scalar_prefetch = 0 : i64, scratch_operands = 5 : i64, tpu.core_type = #tpu.core_type<sc_vector_subcore>, window_params = [{transform_indices = #map}, {transform_indices = #map1}, {transform_indices = #map1}, {transform_indices = #map}, {transform_indices = #map1}]} {
    %mul3A = arith.constant 16 : i32
    %mul3A_0 = arith.muli %arg0, %mul3A : i32
    %add3A = arith.addi %mul3A_0, %arg1 : i32
    %mul3A_1 = arith.constant 1880 : i32
    %mul3A_2 = arith.muli %arg1, %mul3A_1 : i32
    "tpu.region"() ({
      %run_scoped3A = tpu.sem_alloc : memref<!tpu.dma_semaphore, #tpu.memory_space<semaphore_mem>>
      %dma_start3A = arith.constant 0 : i32
      %dma_start3A_13 = tpu.memref_slice %arg10[%mul3A_2, %dma_start3A] : memref<30080x32xf32, #tpu.memory_space<vmem_shared>> -> memref<1880x32xf32, #tpu.memory_space<vmem_shared>>
      tpu.enqueue_dma source(%arg5 : memref<1880x32xf32, #tpu.memory_space<hbm>>) target(%dma_start3A_13 : memref<1880x32xf32, #tpu.memory_space<vmem_shared>>) target_semaphore(%run_scoped3A : memref<!tpu.dma_semaphore, #tpu.memory_space<semaphore_mem>>)
      %dma_wait3A = arith.constant 0 : i32
      %dma_wait3A_14 = tpu.memref_slice %arg10[%mul3A_2, %dma_wait3A] : memref<30080x32xf32, #tpu.memory_space<vmem_shared>> -> memref<1880x32xf32, #tpu.memory_space<vmem_shared>>
      tpu.wait_dma2 semaphore(%run_scoped3A : memref<!tpu.dma_semaphore, #tpu.memory_space<semaphore_mem>>) src(%arg5 : memref<1880x32xf32, #tpu.memory_space<hbm>>) dst(%dma_wait3A_14 : memref<1880x32xf32, #tpu.memory_space<vmem_shared>>)
      tpu.yield
    }) : () -> ()
    "tpu.region"() ({
      %run_scoped3A = tpu.sem_alloc : memref<!tpu.dma_semaphore, #tpu.memory_space<semaphore_mem>>
      %dma_start3A = arith.constant 0 : i32
      %dma_start3A_13 = arith.constant 0 : i32
      %dma_start3A_14 = tpu.memref_slice %arg3[%add3A, %dma_start3A, %dma_start3A_13] : memref<32x240x128xi32, #tpu.memory_space<hbm>> -> memref<1x240x128xi32, #tpu.memory_space<hbm>>
      %dma_start3A_15 = tpu.memref_squeeze %dma_start3A_14 : memref<1x240x128xi32, #tpu.memory_space<hbm>> -> memref<240x128xi32, #tpu.memory_space<hbm>>
      %dma_start3A_16 = arith.constant 0 : i32
      %dma_start3A_17 = arith.constant 0 : i32
      %dma_start3A_18 = tpu.memref_slice %arg3[%add3A, %dma_start3A_16, %dma_start3A_17] : memref<32x240x128xi32, #tpu.memory_space<hbm>> -> memref<1x240x128xi32, #tpu.memory_space<hbm>>
      %dma_start3A_19 = tpu.memref_squeeze %dma_start3A_18 : memref<1x240x128xi32, #tpu.memory_space<hbm>> -> memref<240x128xi32, #tpu.memory_space<hbm>>
      tpu.enqueue_dma source(%dma_start3A_19 : memref<240x128xi32, #tpu.memory_space<hbm>>) target(%arg7 : memref<240x128xi32, #tpu.memory_space<vmem>>) target_semaphore(%run_scoped3A : memref<!tpu.dma_semaphore, #tpu.memory_space<semaphore_mem>>)
      %dma_wait3A = arith.constant 0 : i32
      %dma_wait3A_20 = arith.constant 0 : i32
      %dma_wait3A_21 = tpu.memref_slice %arg3[%add3A, %dma_wait3A, %dma_wait3A_20] : memref<32x240x128xi32, #tpu.memory_space<hbm>> -> memref<1x240x128xi32, #tpu.memory_space<hbm>>
      %dma_wait3A_22 = tpu.memref_squeeze %dma_wait3A_21 : memref<1x240x128xi32, #tpu.memory_space<hbm>> -> memref<240x128xi32, #tpu.memory_space<hbm>>
      %dma_wait3A_23 = arith.constant 0 : i32
      %dma_wait3A_24 = arith.constant 0 : i32
      %dma_wait3A_25 = tpu.memref_slice %arg3[%add3A, %dma_wait3A_23, %dma_wait3A_24] : memref<32x240x128xi32, #tpu.memory_space<hbm>> -> memref<1x240x128xi32, #tpu.memory_space<hbm>>
      %dma_wait3A_26 = tpu.memref_squeeze %dma_wait3A_25 : memref<1x240x128xi32, #tpu.memory_space<hbm>> -> memref<240x128xi32, #tpu.memory_space<hbm>>
      tpu.wait_dma2 semaphore(%run_scoped3A : memref<!tpu.dma_semaphore, #tpu.memory_space<semaphore_mem>>) src(%dma_wait3A_26 : memref<240x128xi32, #tpu.memory_space<hbm>>) dst(%arg7 : memref<240x128xi32, #tpu.memory_space<vmem>>)
      tpu.yield
    }) : () -> ()
    "tpu.region"() ({
      %run_scoped3A = tpu.sem_alloc : memref<!tpu.dma_semaphore, #tpu.memory_space<semaphore_mem>>
      %dma_start3A = arith.constant 0 : i32
      %dma_start3A_13 = arith.constant 0 : i32
      %dma_start3A_14 = tpu.memref_slice %arg4[%add3A, %dma_start3A, %dma_start3A_13] : memref<32x240x128xi32, #tpu.memory_space<hbm>> -> memref<1x240x128xi32, #tpu.memory_space<hbm>>
      %dma_start3A_15 = tpu.memref_squeeze %dma_start3A_14 : memref<1x240x128xi32, #tpu.memory_space<hbm>> -> memref<240x128xi32, #tpu.memory_space<hbm>>
      %dma_start3A_16 = arith.constant 0 : i32
      %dma_start3A_17 = arith.constant 0 : i32
      %dma_start3A_18 = tpu.memref_slice %arg4[%add3A, %dma_start3A_16, %dma_start3A_17] : memref<32x240x128xi32, #tpu.memory_space<hbm>> -> memref<1x240x128xi32, #tpu.memory_space<hbm>>
      %dma_start3A_19 = tpu.memref_squeeze %dma_start3A_18 : memref<1x240x128xi32, #tpu.memory_space<hbm>> -> memref<240x128xi32, #tpu.memory_space<hbm>>
      tpu.enqueue_dma source(%dma_start3A_19 : memref<240x128xi32, #tpu.memory_space<hbm>>) target(%arg8 : memref<240x128xi32, #tpu.memory_space<vmem>>) target_semaphore(%run_scoped3A : memref<!tpu.dma_semaphore, #tpu.memory_space<semaphore_mem>>)
      %dma_wait3A = arith.constant 0 : i32
      %dma_wait3A_20 = arith.constant 0 : i32
      %dma_wait3A_21 = tpu.memref_slice %arg4[%add3A, %dma_wait3A, %dma_wait3A_20] : memref<32x240x128xi32, #tpu.memory_space<hbm>> -> memref<1x240x128xi32, #tpu.memory_space<hbm>>
      %dma_wait3A_22 = tpu.memref_squeeze %dma_wait3A_21 : memref<1x240x128xi32, #tpu.memory_space<hbm>> -> memref<240x128xi32, #tpu.memory_space<hbm>>
      %dma_wait3A_23 = arith.constant 0 : i32
      %dma_wait3A_24 = arith.constant 0 : i32
      %dma_wait3A_25 = tpu.memref_slice %arg4[%add3A, %dma_wait3A_23, %dma_wait3A_24] : memref<32x240x128xi32, #tpu.memory_space<hbm>> -> memref<1x240x128xi32, #tpu.memory_space<hbm>>
      %dma_wait3A_26 = tpu.memref_squeeze %dma_wait3A_25 : memref<1x240x128xi32, #tpu.memory_space<hbm>> -> memref<240x128xi32, #tpu.memory_space<hbm>>
      tpu.wait_dma2 semaphore(%run_scoped3A : memref<!tpu.dma_semaphore, #tpu.memory_space<semaphore_mem>>) src(%dma_wait3A_26 : memref<240x128xi32, #tpu.memory_space<hbm>>) dst(%arg8 : memref<240x128xi32, #tpu.memory_space<vmem>>)
      tpu.yield
    }) : () -> ()
    %barrier3A = arith.constant 0 : index
    tpu.barrier barrier_id(%barrier3A)
    %scan3A = arith.constant 0 : i32
    %scan3A_3 = arith.constant 0 : i32
    %scan3A_4 = arith.constant 240 : i32
    %scan3A_5 = arith.addi %scan3A_3, %scan3A_4 : i32
    %scan3A_6 = arith.constant 1 : i32
    scf.for %scan3A_13 = %scan3A_3 to %scan3A_5 step %scan3A_6  : i32 {
      %dma_start3A = arith.constant 0 : i32
      %dma_start3A_14 = tpu.memref_slice %arg7[%scan3A_13, %dma_start3A] : memref<240x128xi32, #tpu.memory_space<vmem>> -> memref<1x128xi32, #tpu.memory_space<vmem>>
      %dma_start3A_15 = tpu.memref_squeeze %dma_start3A_14 : memref<1x128xi32, #tpu.memory_space<vmem>> -> memref<128xi32, #tpu.memory_space<vmem>>
      %dma_start3A_16 = arith.constant 0 : i32
      %dma_start3A_17 = arith.constant 0 : i32
      %dma_start3A_18 = tpu.memref_slice %arg2[%dma_start3A_16, %dma_start3A_17] : memref<30008x32xf32, #tpu.memory_space<hbm>> -> memref<30008x32xf32, #tpu.memory_space<hbm>>
      tpu.enqueue_indirect_dma source(%dma_start3A_18 : memref<30008x32xf32, #tpu.memory_space<hbm>>) target(%arg9 : memref<128x32xf32, #tpu.memory_space<vmem>>) offsets(%dma_start3A_15 : memref<128xi32, #tpu.memory_space<vmem>>) semaphore(%arg11 : memref<!tpu.dma_semaphore, #tpu.memory_space<semaphore_mem>>)
      %dma_wait3A = arith.constant 0 : i32
      %dma_wait3A_19 = tpu.memref_slice %arg7[%scan3A_13, %dma_wait3A] : memref<240x128xi32, #tpu.memory_space<vmem>> -> memref<1x128xi32, #tpu.memory_space<vmem>>
      %dma_wait3A_20 = tpu.memref_squeeze %dma_wait3A_19 : memref<1x128xi32, #tpu.memory_space<vmem>> -> memref<128xi32, #tpu.memory_space<vmem>>
      %dma_wait3A_21 = arith.constant 0 : i32
      %dma_wait3A_22 = arith.constant 0 : i32
      %dma_wait3A_23 = tpu.memref_slice %arg2[%dma_wait3A_21, %dma_wait3A_22] : memref<30008x32xf32, #tpu.memory_space<hbm>> -> memref<30008x32xf32, #tpu.memory_space<hbm>>
      tpu.wait_indirect_dma semaphore(%arg11 : memref<!tpu.dma_semaphore, #tpu.memory_space<semaphore_mem>>) src(%dma_wait3A_23 : memref<30008x32xf32, #tpu.memory_space<hbm>>) dst(%arg9 : memref<128x32xf32, #tpu.memory_space<vmem>>)
      "tpu.region"() ({
        %run_scoped3A = tpu.sem_alloc : memref<!tpu.dma_semaphore, #tpu.memory_space<semaphore_mem>>
        %dma_start3A_24 = arith.constant 0 : i32
        %dma_start3A_25 = tpu.memref_slice %arg8[%scan3A_13, %dma_start3A_24] : memref<240x128xi32, #tpu.memory_space<vmem>> -> memref<1x128xi32, #tpu.memory_space<vmem>>
        %dma_start3A_26 = tpu.memref_squeeze %dma_start3A_25 : memref<1x128xi32, #tpu.memory_space<vmem>> -> memref<128xi32, #tpu.memory_space<vmem>>
        %dma_start3A_27 = arith.constant 0 : i32
        %dma_start3A_28 = arith.constant 0 : i32
        %dma_start3A_29 = tpu.memref_slice %arg10[%dma_start3A_27, %dma_start3A_28] : memref<30080x32xf32, #tpu.memory_space<vmem_shared>> -> memref<30080x32xf32, #tpu.memory_space<vmem_shared>>
        tpu.enqueue_indirect_dma source(%arg9 : memref<128x32xf32, #tpu.memory_space<vmem>>) target(%dma_start3A_29 : memref<30080x32xf32, #tpu.memory_space<vmem_shared>>) offsets(%dma_start3A_26 : memref<128xi32, #tpu.memory_space<vmem>>) semaphore(%run_scoped3A : memref<!tpu.dma_semaphore, #tpu.memory_space<semaphore_mem>>) {add = true}
        %dma_wait3A_30 = arith.constant 0 : i32
        %dma_wait3A_31 = tpu.memref_slice %arg8[%scan3A_13, %dma_wait3A_30] : memref<240x128xi32, #tpu.memory_space<vmem>> -> memref<1x128xi32, #tpu.memory_space<vmem>>
        %dma_wait3A_32 = tpu.memref_squeeze %dma_wait3A_31 : memref<1x128xi32, #tpu.memory_space<vmem>> -> memref<128xi32, #tpu.memory_space<vmem>>
        %dma_wait3A_33 = arith.constant 0 : i32
        %dma_wait3A_34 = arith.constant 0 : i32
        %dma_wait3A_35 = tpu.memref_slice %arg10[%dma_wait3A_33, %dma_wait3A_34] : memref<30080x32xf32, #tpu.memory_space<vmem_shared>> -> memref<30080x32xf32, #tpu.memory_space<vmem_shared>>
        tpu.wait_indirect_dma semaphore(%run_scoped3A : memref<!tpu.dma_semaphore, #tpu.memory_space<semaphore_mem>>) src(%arg9 : memref<128x32xf32, #tpu.memory_space<vmem>>) dst(%dma_wait3A_35 : memref<30080x32xf32, #tpu.memory_space<vmem_shared>>)
        tpu.yield
      }) : () -> ()
    }
    %scan3A_7 = arith.constant 240 : i32
    %barrier3A_8 = arith.constant 0 : index
    tpu.barrier barrier_id(%barrier3A_8)
    %mul3A_9 = arith.constant 1880 : i32
    %mul3A_10 = arith.muli %arg1, %mul3A_9 : i32
    %mul3A_11 = arith.constant 1880 : i32
    %mul3A_12 = arith.muli %arg1, %mul3A_11 : i32
    "tpu.region"() ({
      %run_scoped3A = tpu.sem_alloc : memref<!tpu.dma_semaphore, #tpu.memory_space<semaphore_mem>>
      %dma_start3A = arith.constant 0 : i32
      %dma_start3A_13 = tpu.memref_slice %arg6[%arg0, %mul3A_12, %dma_start3A] : memref<2x30080x32xf32, #tpu.memory_space<hbm>> -> memref<1x1880x32xf32, #tpu.memory_space<hbm>>
      %dma_start3A_14 = tpu.memref_squeeze %dma_start3A_13 : memref<1x1880x32xf32, #tpu.memory_space<hbm>> -> memref<1880x32xf32, #tpu.memory_space<hbm>>
      %dma_start3A_15 = arith.constant 0 : i32
      %dma_start3A_16 = tpu.memref_slice %arg10[%mul3A_10, %dma_start3A_15] : memref<30080x32xf32, #tpu.memory_space<vmem_shared>> -> memref<1880x32xf32, #tpu.memory_space<vmem_shared>>
      tpu.enqueue_dma source(%dma_start3A_16 : memref<1880x32xf32, #tpu.memory_space<vmem_shared>>) target(%dma_start3A_14 : memref<1880x32xf32, #tpu.memory_space<hbm>>) target_semaphore(%run_scoped3A : memref<!tpu.dma_semaphore, #tpu.memory_space<semaphore_mem>>)
      %dma_wait3A = arith.constant 0 : i32
      %dma_wait3A_17 = tpu.memref_slice %arg6[%arg0, %mul3A_12, %dma_wait3A] : memref<2x30080x32xf32, #tpu.memory_space<hbm>> -> memref<1x1880x32xf32, #tpu.memory_space<hbm>>
      %dma_wait3A_18 = tpu.memref_squeeze %dma_wait3A_17 : memref<1x1880x32xf32, #tpu.memory_space<hbm>> -> memref<1880x32xf32, #tpu.memory_space<hbm>>
      %dma_wait3A_19 = arith.constant 0 : i32
      %dma_wait3A_20 = tpu.memref_slice %arg10[%mul3A_10, %dma_wait3A_19] : memref<30080x32xf32, #tpu.memory_space<vmem_shared>> -> memref<1880x32xf32, #tpu.memory_space<vmem_shared>>
      tpu.wait_dma2 semaphore(%run_scoped3A : memref<!tpu.dma_semaphore, #tpu.memory_space<semaphore_mem>>) src(%dma_wait3A_20 : memref<1880x32xf32, #tpu.memory_space<vmem_shared>>) dst(%dma_wait3A_18 : memref<1880x32xf32, #tpu.memory_space<hbm>>)
      tpu.yield
    }) : () -> ()
    return
  }
}

#map = affine_map<(d0, d1) -> (0, 0)>
#map1 = affine_map<(d0, d1) -> (0, 0, 0)>
module attributes {stable_mosaic.version = 14 : i64} {
  func.func @sc_counts(%arg0: i32, %arg1: i32, %arg2: memref<128x32xf32, #tpu.memory_space<hbm>>, %arg3: memref<32x80x128xi32, #tpu.memory_space<hbm>>, %arg4: memref<632x32xf32, #tpu.memory_space<hbm>>, %arg5: memref<2x10112x32xf32, #tpu.memory_space<hbm>>, %arg6: memref<80x128xi32, #tpu.memory_space<vmem>>, %arg7: memref<128x32xf32, #tpu.memory_space<vmem>>, %arg8: memref<10112x32xf32, #tpu.memory_space<vmem_shared>>) attributes {dimension_semantics = [#tpu.dimension_semantics<core_parallel>, #tpu.dimension_semantics<subcore_parallel>], iteration_bounds = array<i64: 2, 16>, scalar_prefetch = 0 : i64, scratch_operands = 3 : i64, tpu.core_type = #tpu.core_type<sc_vector_subcore>, window_params = [{transform_indices = #map}, {transform_indices = #map1}, {transform_indices = #map}, {transform_indices = #map1}]} {
    %mul3A = arith.constant 16 : i32
    %mul3A_0 = arith.muli %arg0, %mul3A : i32
    %add3A = arith.addi %mul3A_0, %arg1 : i32
    %mul3A_1 = arith.constant 632 : i32
    %mul3A_2 = arith.muli %arg1, %mul3A_1 : i32
    "tpu.region"() ({
      %run_scoped3A = tpu.sem_alloc : memref<!tpu.dma_semaphore, #tpu.memory_space<semaphore_mem>>
      %dma_start3A = arith.constant 0 : i32
      %dma_start3A_13 = tpu.memref_slice %arg8[%mul3A_2, %dma_start3A] : memref<10112x32xf32, #tpu.memory_space<vmem_shared>> -> memref<632x32xf32, #tpu.memory_space<vmem_shared>>
      tpu.enqueue_dma source(%arg4 : memref<632x32xf32, #tpu.memory_space<hbm>>) target(%dma_start3A_13 : memref<632x32xf32, #tpu.memory_space<vmem_shared>>) target_semaphore(%run_scoped3A : memref<!tpu.dma_semaphore, #tpu.memory_space<semaphore_mem>>)
      %dma_wait3A = arith.constant 0 : i32
      %dma_wait3A_14 = tpu.memref_slice %arg8[%mul3A_2, %dma_wait3A] : memref<10112x32xf32, #tpu.memory_space<vmem_shared>> -> memref<632x32xf32, #tpu.memory_space<vmem_shared>>
      tpu.wait_dma2 semaphore(%run_scoped3A : memref<!tpu.dma_semaphore, #tpu.memory_space<semaphore_mem>>) src(%arg4 : memref<632x32xf32, #tpu.memory_space<hbm>>) dst(%dma_wait3A_14 : memref<632x32xf32, #tpu.memory_space<vmem_shared>>)
      tpu.yield
    }) : () -> ()
    "tpu.region"() ({
      %run_scoped3A = tpu.sem_alloc : memref<!tpu.dma_semaphore, #tpu.memory_space<semaphore_mem>>
      %dma_start3A = arith.constant 0 : i32
      %dma_start3A_13 = arith.constant 0 : i32
      %dma_start3A_14 = tpu.memref_slice %arg3[%add3A, %dma_start3A, %dma_start3A_13] : memref<32x80x128xi32, #tpu.memory_space<hbm>> -> memref<1x80x128xi32, #tpu.memory_space<hbm>>
      %dma_start3A_15 = tpu.memref_squeeze %dma_start3A_14 : memref<1x80x128xi32, #tpu.memory_space<hbm>> -> memref<80x128xi32, #tpu.memory_space<hbm>>
      %dma_start3A_16 = arith.constant 0 : i32
      %dma_start3A_17 = arith.constant 0 : i32
      %dma_start3A_18 = tpu.memref_slice %arg3[%add3A, %dma_start3A_16, %dma_start3A_17] : memref<32x80x128xi32, #tpu.memory_space<hbm>> -> memref<1x80x128xi32, #tpu.memory_space<hbm>>
      %dma_start3A_19 = tpu.memref_squeeze %dma_start3A_18 : memref<1x80x128xi32, #tpu.memory_space<hbm>> -> memref<80x128xi32, #tpu.memory_space<hbm>>
      tpu.enqueue_dma source(%dma_start3A_19 : memref<80x128xi32, #tpu.memory_space<hbm>>) target(%arg6 : memref<80x128xi32, #tpu.memory_space<vmem>>) target_semaphore(%run_scoped3A : memref<!tpu.dma_semaphore, #tpu.memory_space<semaphore_mem>>)
      %dma_wait3A = arith.constant 0 : i32
      %dma_wait3A_20 = arith.constant 0 : i32
      %dma_wait3A_21 = tpu.memref_slice %arg3[%add3A, %dma_wait3A, %dma_wait3A_20] : memref<32x80x128xi32, #tpu.memory_space<hbm>> -> memref<1x80x128xi32, #tpu.memory_space<hbm>>
      %dma_wait3A_22 = tpu.memref_squeeze %dma_wait3A_21 : memref<1x80x128xi32, #tpu.memory_space<hbm>> -> memref<80x128xi32, #tpu.memory_space<hbm>>
      %dma_wait3A_23 = arith.constant 0 : i32
      %dma_wait3A_24 = arith.constant 0 : i32
      %dma_wait3A_25 = tpu.memref_slice %arg3[%add3A, %dma_wait3A_23, %dma_wait3A_24] : memref<32x80x128xi32, #tpu.memory_space<hbm>> -> memref<1x80x128xi32, #tpu.memory_space<hbm>>
      %dma_wait3A_26 = tpu.memref_squeeze %dma_wait3A_25 : memref<1x80x128xi32, #tpu.memory_space<hbm>> -> memref<80x128xi32, #tpu.memory_space<hbm>>
      tpu.wait_dma2 semaphore(%run_scoped3A : memref<!tpu.dma_semaphore, #tpu.memory_space<semaphore_mem>>) src(%dma_wait3A_26 : memref<80x128xi32, #tpu.memory_space<hbm>>) dst(%arg6 : memref<80x128xi32, #tpu.memory_space<vmem>>)
      tpu.yield
    }) : () -> ()
    "tpu.region"() ({
      %run_scoped3A = tpu.sem_alloc : memref<!tpu.dma_semaphore, #tpu.memory_space<semaphore_mem>>
      tpu.enqueue_dma source(%arg2 : memref<128x32xf32, #tpu.memory_space<hbm>>) target(%arg7 : memref<128x32xf32, #tpu.memory_space<vmem>>) target_semaphore(%run_scoped3A : memref<!tpu.dma_semaphore, #tpu.memory_space<semaphore_mem>>)
      tpu.wait_dma2 semaphore(%run_scoped3A : memref<!tpu.dma_semaphore, #tpu.memory_space<semaphore_mem>>) src(%arg2 : memref<128x32xf32, #tpu.memory_space<hbm>>) dst(%arg7 : memref<128x32xf32, #tpu.memory_space<vmem>>)
      tpu.yield
    }) : () -> ()
    %barrier3A = arith.constant 0 : index
    tpu.barrier barrier_id(%barrier3A)
    %scan3A = arith.constant 0 : i32
    %scan3A_3 = arith.constant 0 : i32
    %scan3A_4 = arith.constant 80 : i32
    %scan3A_5 = arith.addi %scan3A_3, %scan3A_4 : i32
    %scan3A_6 = arith.constant 1 : i32
    scf.for %scan3A_13 = %scan3A_3 to %scan3A_5 step %scan3A_6  : i32 {
      "tpu.region"() ({
        %run_scoped3A = tpu.sem_alloc : memref<!tpu.dma_semaphore, #tpu.memory_space<semaphore_mem>>
        %dma_start3A = arith.constant 0 : i32
        %dma_start3A_14 = tpu.memref_slice %arg6[%scan3A_13, %dma_start3A] : memref<80x128xi32, #tpu.memory_space<vmem>> -> memref<1x128xi32, #tpu.memory_space<vmem>>
        %dma_start3A_15 = tpu.memref_squeeze %dma_start3A_14 : memref<1x128xi32, #tpu.memory_space<vmem>> -> memref<128xi32, #tpu.memory_space<vmem>>
        %dma_start3A_16 = arith.constant 0 : i32
        %dma_start3A_17 = arith.constant 0 : i32
        %dma_start3A_18 = tpu.memref_slice %arg8[%dma_start3A_16, %dma_start3A_17] : memref<10112x32xf32, #tpu.memory_space<vmem_shared>> -> memref<10112x32xf32, #tpu.memory_space<vmem_shared>>
        tpu.enqueue_indirect_dma source(%arg7 : memref<128x32xf32, #tpu.memory_space<vmem>>) target(%dma_start3A_18 : memref<10112x32xf32, #tpu.memory_space<vmem_shared>>) offsets(%dma_start3A_15 : memref<128xi32, #tpu.memory_space<vmem>>) semaphore(%run_scoped3A : memref<!tpu.dma_semaphore, #tpu.memory_space<semaphore_mem>>) {add = true}
        %dma_wait3A = arith.constant 0 : i32
        %dma_wait3A_19 = tpu.memref_slice %arg6[%scan3A_13, %dma_wait3A] : memref<80x128xi32, #tpu.memory_space<vmem>> -> memref<1x128xi32, #tpu.memory_space<vmem>>
        %dma_wait3A_20 = tpu.memref_squeeze %dma_wait3A_19 : memref<1x128xi32, #tpu.memory_space<vmem>> -> memref<128xi32, #tpu.memory_space<vmem>>
        %dma_wait3A_21 = arith.constant 0 : i32
        %dma_wait3A_22 = arith.constant 0 : i32
        %dma_wait3A_23 = tpu.memref_slice %arg8[%dma_wait3A_21, %dma_wait3A_22] : memref<10112x32xf32, #tpu.memory_space<vmem_shared>> -> memref<10112x32xf32, #tpu.memory_space<vmem_shared>>
        tpu.wait_indirect_dma semaphore(%run_scoped3A : memref<!tpu.dma_semaphore, #tpu.memory_space<semaphore_mem>>) src(%arg7 : memref<128x32xf32, #tpu.memory_space<vmem>>) dst(%dma_wait3A_23 : memref<10112x32xf32, #tpu.memory_space<vmem_shared>>)
        tpu.yield
      }) : () -> ()
    }
    %scan3A_7 = arith.constant 80 : i32
    %barrier3A_8 = arith.constant 0 : index
    tpu.barrier barrier_id(%barrier3A_8)
    %mul3A_9 = arith.constant 632 : i32
    %mul3A_10 = arith.muli %arg1, %mul3A_9 : i32
    %mul3A_11 = arith.constant 632 : i32
    %mul3A_12 = arith.muli %arg1, %mul3A_11 : i32
    "tpu.region"() ({
      %run_scoped3A = tpu.sem_alloc : memref<!tpu.dma_semaphore, #tpu.memory_space<semaphore_mem>>
      %dma_start3A = arith.constant 0 : i32
      %dma_start3A_13 = tpu.memref_slice %arg5[%arg0, %mul3A_12, %dma_start3A] : memref<2x10112x32xf32, #tpu.memory_space<hbm>> -> memref<1x632x32xf32, #tpu.memory_space<hbm>>
      %dma_start3A_14 = tpu.memref_squeeze %dma_start3A_13 : memref<1x632x32xf32, #tpu.memory_space<hbm>> -> memref<632x32xf32, #tpu.memory_space<hbm>>
      %dma_start3A_15 = arith.constant 0 : i32
      %dma_start3A_16 = tpu.memref_slice %arg8[%mul3A_10, %dma_start3A_15] : memref<10112x32xf32, #tpu.memory_space<vmem_shared>> -> memref<632x32xf32, #tpu.memory_space<vmem_shared>>
      tpu.enqueue_dma source(%dma_start3A_16 : memref<632x32xf32, #tpu.memory_space<vmem_shared>>) target(%dma_start3A_14 : memref<632x32xf32, #tpu.memory_space<hbm>>) target_semaphore(%run_scoped3A : memref<!tpu.dma_semaphore, #tpu.memory_space<semaphore_mem>>)
      %dma_wait3A = arith.constant 0 : i32
      %dma_wait3A_17 = tpu.memref_slice %arg5[%arg0, %mul3A_12, %dma_wait3A] : memref<2x10112x32xf32, #tpu.memory_space<hbm>> -> memref<1x632x32xf32, #tpu.memory_space<hbm>>
      %dma_wait3A_18 = tpu.memref_squeeze %dma_wait3A_17 : memref<1x632x32xf32, #tpu.memory_space<hbm>> -> memref<632x32xf32, #tpu.memory_space<hbm>>
      %dma_wait3A_19 = arith.constant 0 : i32
      %dma_wait3A_20 = tpu.memref_slice %arg8[%mul3A_10, %dma_wait3A_19] : memref<10112x32xf32, #tpu.memory_space<vmem_shared>> -> memref<632x32xf32, #tpu.memory_space<vmem_shared>>
      tpu.wait_dma2 semaphore(%run_scoped3A : memref<!tpu.dma_semaphore, #tpu.memory_space<semaphore_mem>>) src(%dma_wait3A_20 : memref<632x32xf32, #tpu.memory_space<vmem_shared>>) dst(%dma_wait3A_18 : memref<632x32xf32, #tpu.memory_space<hbm>>)
      tpu.yield
    }) : () -> ()
    return
  }
}

module attributes {stable_mosaic.version = 14 : i64} {
  func.func @_tc_in_body(%arg0: i32, %arg1: memref<1000x128xf32, #tpu.memory_space<vmem>>, %arg2: memref<128x32xf32, #tpu.memory_space<vmem>>, %arg3: memref<1x32xf32, #tpu.memory_space<vmem>>, %arg4: memref<1000x32xf32, #tpu.memory_space<vmem>>) attributes {dimension_semantics = [#tpu.dimension_semantics<arbitrary>], iteration_bounds = array<i64: 30>, scalar_prefetch = 0 : i64, scratch_operands = 0 : i64, tpu.core_type = #tpu.core_type<tc>, window_params = [{transform_indices = @transform_0, window_bounds = array<i64: 1000, 128>}, {pipeline_mode = #tpu.pipeline_mode<synchronous>, transform_indices = @transform_1, window_bounds = array<i64: 128, 32>}, {pipeline_mode = #tpu.pipeline_mode<synchronous>, transform_indices = @transform_2, window_bounds = array<i64: 1, 32>}, {transform_indices = @transform_3, window_bounds = array<i64: 1000, 32>}]} {
    %get3A = arith.constant 0 : index
    %get3A_0 = arith.constant 0 : index
    %get3A_1 = vector.load %arg1[%get3A, %get3A_0] : memref<1000x128xf32, #tpu.memory_space<vmem>>, vector<1000x128xf32>
    %get3A_2 = arith.constant 0 : index
    %get3A_3 = arith.constant 0 : index
    %get3A_4 = vector.load %arg2[%get3A_2, %get3A_3] : memref<128x32xf32, #tpu.memory_space<vmem>>, vector<128x32xf32>
    %convert_element_type3A = arith.truncf %get3A_1 : vector<1000x128xf32> to vector<1000x128xbf16>
    %convert_element_type3A_5 = arith.extf %convert_element_type3A : vector<1000x128xbf16> to vector<1000x128xf32>
    %convert_element_type3A_6 = arith.truncf %get3A_4 : vector<128x32xf32> to vector<128x32xbf16>
    %convert_element_type3A_7 = arith.extf %convert_element_type3A_6 : vector<128x32xbf16> to vector<128x32xf32>
    %dot_general3A = arith.constant dense<0.000000e+00> : vector<1000x32xf32>
    %dot_general3A_8 = tpu.matmul %convert_element_type3A_5, %convert_element_type3A_7, %dot_general3A {dimension_numbers = #tpu.dot_dimension_numbers<[1], [0], [0], [1], [0, 0, 1, 1], [], []>, precision = #tpu.contract_precision<fp32>, transpose_lhs_hint = false} : vector<1000x128xf32>, vector<128x32xf32>, vector<1000x32xf32> -> vector<1000x32xf32>
    %get3A_9 = arith.constant 0 : index
    %get3A_10 = arith.constant 0 : index
    %get3A_11 = vector.load %arg3[%get3A_9, %get3A_10] : memref<1x32xf32, #tpu.memory_space<vmem>>, vector<1x32xf32>
    %add3A = vector.broadcast %get3A_11 : vector<1x32xf32> to vector<1000x32xf32>
    %add3A_12 = arith.addf %dot_general3A_8, %add3A : vector<1000x32xf32>
    %max3A = arith.constant 0.000000e+00 : f32
    %max3A_13 = vector.broadcast %max3A : f32 to vector<1000x32xf32>
    %max3A_14 = arith.maximumf %add3A_12, %max3A_13 : vector<1000x32xf32>
    %convert_element_type3A_15 = arith.truncf %max3A_14 : vector<1000x32xf32> to vector<1000x32xbf16>
    %convert_element_type3A_16 = arith.extf %convert_element_type3A_15 : vector<1000x32xbf16> to vector<1000x32xf32>
    %swap3A = arith.constant 0 : index
    %swap3A_17 = arith.constant 0 : index
    %swap3A_18 = vector.load %arg4[%swap3A, %swap3A_17] : memref<1000x32xf32, #tpu.memory_space<vmem>>, vector<1000x32xf32>
    tpu.vector_store %arg4[%swap3A, %swap3A_17], %convert_element_type3A_16 {strides = array<i32>} : memref<1000x32xf32, #tpu.memory_space<vmem>>, vector<1000x32xf32>,
    return
  }
  func.func @transform_0(%arg0: i32) -> (i32, i32) {
    %c0_i32 = arith.constant 0 : i32
    %c0_i32_0 = arith.constant 0 : i32
    return %arg0, %c0_i32 : i32, i32
  }
  func.func @transform_1(%arg0: i32) -> (i32, i32) {
    %c0_i32 = arith.constant 0 : i32
    %c0_i32_0 = arith.constant 0 : i32
    %c0_i32_1 = arith.constant 0 : i32
    return %c0_i32, %c0_i32_0 : i32, i32
  }
  func.func @transform_2(%arg0: i32) -> (i32, i32) {
    %c0_i32 = arith.constant 0 : i32
    %c0_i32_0 = arith.constant 0 : i32
    %c0_i32_1 = arith.constant 0 : i32
    return %c0_i32, %c0_i32_0 : i32, i32
  }
  func.func @transform_3(%arg0: i32) -> (i32, i32) {
    %c0_i32 = arith.constant 0 : i32
    %c0_i32_0 = arith.constant 0 : i32
    return %arg0, %c0_i32 : i32, i32
  }
}

module attributes {stable_mosaic.version = 14 : i64} {
  func.func @_tc_update_body(%arg0: i32, %arg1: memref<1000x32xf32, #tpu.memory_space<vmem>>, %arg2: memref<2x1000x32xf32, #tpu.memory_space<vmem>>, %arg3: memref<2x1000x32xf32, #tpu.memory_space<vmem>>, %arg4: memref<64x32xf32, #tpu.memory_space<vmem>>, %arg5: memref<1x32xf32, #tpu.memory_space<vmem>>, %arg6: memref<64x32xf32, #tpu.memory_space<vmem>>, %arg7: memref<1x32xf32, #tpu.memory_space<vmem>>, %arg8: memref<1000x32xf32, #tpu.memory_space<vmem>>) attributes {dimension_semantics = [#tpu.dimension_semantics<arbitrary>], iteration_bounds = array<i64: 30>, scalar_prefetch = 0 : i64, scratch_operands = 0 : i64, tpu.core_type = #tpu.core_type<tc>, window_params = [{transform_indices = @transform_0, window_bounds = array<i64: 1000, 32>}, {transform_indices = @transform_1, window_bounds = array<i64: 2, 1000, 32>}, {transform_indices = @transform_2, window_bounds = array<i64: 2, 1000, 32>}, {pipeline_mode = #tpu.pipeline_mode<synchronous>, transform_indices = @transform_3, window_bounds = array<i64: 64, 32>}, {pipeline_mode = #tpu.pipeline_mode<synchronous>, transform_indices = @transform_4, window_bounds = array<i64: 1, 32>}, {pipeline_mode = #tpu.pipeline_mode<synchronous>, transform_indices = @transform_5, window_bounds = array<i64: 64, 32>}, {pipeline_mode = #tpu.pipeline_mode<synchronous>, transform_indices = @transform_6, window_bounds = array<i64: 1, 32>}, {transform_indices = @transform_7, window_bounds = array<i64: 1000, 32>}]} {
    %get3A = arith.constant 0 : index
    %get3A_0 = arith.constant 0 : index
    %get3A_1 = vector.load %arg1[%get3A, %get3A_0] : memref<1000x32xf32, #tpu.memory_space<vmem>>, vector<1000x32xf32>
    %get3A_2 = arith.constant 0 : index
    %get3A_3 = arith.constant 0 : index
    %get3A_4 = arith.constant 0 : index
    %get3A_5 = vector.load %arg2[%get3A_2, %get3A_3, %get3A_4] : memref<2x1000x32xf32, #tpu.memory_space<vmem>>, vector<1x1000x32xf32>
    %get3A_6 = vector.shape_cast %get3A_5 : vector<1x1000x32xf32> to vector<1000x32xf32>
    %get3A_7 = arith.constant 1 : index
    %get3A_8 = arith.constant 0 : index
    %get3A_9 = arith.constant 0 : index
    %get3A_10 = vector.load %arg2[%get3A_7, %get3A_8, %get3A_9] : memref<2x1000x32xf32, #tpu.memory_space<vmem>>, vector<1x1000x32xf32>
    %get3A_11 = vector.shape_cast %get3A_10 : vector<1x1000x32xf32> to vector<1000x32xf32>
    %add3A = arith.addf %get3A_6, %get3A_11 : vector<1000x32xf32>
    %get3A_12 = arith.constant 0 : index
    %get3A_13 = arith.constant 0 : index
    %get3A_14 = arith.constant 0 : index
    %get3A_15 = vector.load %arg3[%get3A_12, %get3A_13, %get3A_14] : memref<2x1000x32xf32, #tpu.memory_space<vmem>>, vector<1x1000x1xf32>
    %get3A_16 = vector.shape_cast %get3A_15 : vector<1x1000x1xf32> to vector<1000x1xf32>
    %get3A_17 = arith.constant 1 : index
    %get3A_18 = arith.constant 0 : index
    %get3A_19 = arith.constant 0 : index
    %get3A_20 = vector.load %arg3[%get3A_17, %get3A_18, %get3A_19] : memref<2x1000x32xf32, #tpu.memory_space<vmem>>, vector<1x1000x1xf32>
    %get3A_21 = vector.shape_cast %get3A_20 : vector<1x1000x1xf32> to vector<1000x1xf32>
    %add3A_22 = arith.addf %get3A_16, %get3A_21 : vector<1000x1xf32>
    %get3A_23 = arith.constant 0 : index
    %get3A_24 = arith.constant 0 : index
    %get3A_25 = vector.load %arg4[%get3A_23, %get3A_24] : memref<64x32xf32, #tpu.memory_space<vmem>>, vector<64x32xf32>
    %get3A_26 = arith.constant 0 : index
    %get3A_27 = arith.constant 0 : index
    %get3A_28 = vector.load %arg6[%get3A_26, %get3A_27] : memref<64x32xf32, #tpu.memory_space<vmem>>, vector<64x32xf32>
    %slice3A = vector.extract_strided_slice %get3A_25 {offsets = [0, 0], sizes = [32, 32], strides = [1, 1]} : vector<64x32xf32> to vector<32x32xf32>
    %convert_element_type3A = arith.truncf %get3A_1 : vector<1000x32xf32> to vector<1000x32xbf16>
    %convert_element_type3A_29 = arith.extf %convert_element_type3A : vector<1000x32xbf16> to vector<1000x32xf32>
    %convert_element_type3A_30 = arith.truncf %slice3A : vector<32x32xf32> to vector<32x32xbf16>
    %convert_element_type3A_31 = arith.extf %convert_element_type3A_30 : vector<32x32xbf16> to vector<32x32xf32>
    %dot_general3A = arith.constant dense<0.000000e+00> : vector<1000x32xf32>
    %dot_general3A_32 = tpu.matmul %convert_element_type3A_29, %convert_element_type3A_31, %dot_general3A {dimension_numbers = #tpu.dot_dimension_numbers<[1], [0], [0], [1], [0, 0, 1, 1], [], []>, precision = #tpu.contract_precision<fp32>, transpose_lhs_hint = false} : vector<1000x32xf32>, vector<32x32xf32>, vector<1000x32xf32> -> vector<1000x32xf32>
    %slice3A_33 = vector.extract_strided_slice %get3A_25 {offsets = [32, 0], sizes = [32, 32], strides = [1, 1]} : vector<64x32xf32> to vector<32x32xf32>
    %convert_element_type3A_34 = arith.truncf %slice3A_33 : vector<32x32xf32> to vector<32x32xbf16>
    %convert_element_type3A_35 = arith.extf %convert_element_type3A_34 : vector<32x32xbf16> to vector<32x32xf32>
    %dot_general3A_36 = arith.constant dense<0.000000e+00> : vector<1000x32xf32>
    %dot_general3A_37 = tpu.matmul %add3A, %convert_element_type3A_35, %dot_general3A_36 {dimension_numbers = #tpu.dot_dimension_numbers<[1], [0], [0], [1], [0, 0, 1, 1], [], []>, precision = #tpu.contract_precision<fp32>, transpose_lhs_hint = false} : vector<1000x32xf32>, vector<32x32xf32>, vector<1000x32xf32> -> vector<1000x32xf32>
    %mul3A = vector.broadcast %add3A_22 : vector<1000x1xf32> to vector<1000x32xf32>
    %mul3A_38 = arith.mulf %dot_general3A_32, %mul3A : vector<1000x32xf32>
    %add3A_39 = arith.addf %mul3A_38, %dot_general3A_37 : vector<1000x32xf32>
    %get3A_40 = arith.constant 0 : index
    %get3A_41 = arith.constant 0 : index
    %get3A_42 = vector.load %arg5[%get3A_40, %get3A_41] : memref<1x32xf32, #tpu.memory_space<vmem>>, vector<1x32xf32>
    %mul3A_43 = vector.broadcast %add3A_22 : vector<1000x1xf32> to vector<1000x32xf32>
    %mul3A_44 = vector.broadcast %get3A_42 : vector<1x32xf32> to vector<1000x32xf32>
    %mul3A_45 = arith.mulf %mul3A_43, %mul3A_44 : vector<1000x32xf32>
    %add3A_46 = arith.addf %add3A_39, %mul3A_45 : vector<1000x32xf32>
    %max3A = arith.constant 1.000000e+00 : f32
    %max3A_47 = vector.broadcast %max3A : f32 to vector<1000x1xf32>
    %max3A_48 = arith.maximumf %add3A_22, %max3A_47 : vector<1000x1xf32>
    %div3A = vector.broadcast %max3A_48 : vector<1000x1xf32> to vector<1000x32xf32>
    %div3A_49 = arith.divf %add3A_46, %div3A : vector<1000x32xf32>
    %slice3A_50 = vector.extract_strided_slice %get3A_28 {offsets = [0, 0], sizes = [32, 32], strides = [1, 1]} : vector<64x32xf32> to vector<32x32xf32>
    %convert_element_type3A_51 = arith.truncf %get3A_1 : vector<1000x32xf32> to vector<1000x32xbf16>
    %convert_element_type3A_52 = arith.extf %convert_element_type3A_51 : vector<1000x32xbf16> to vector<1000x32xf32>
    %convert_element_type3A_53 = arith.truncf %slice3A_50 : vector<32x32xf32> to vector<32x32xbf16>
    %convert_element_type3A_54 = arith.extf %convert_element_type3A_53 : vector<32x32xbf16> to vector<32x32xf32>
    %dot_general3A_55 = arith.constant dense<0.000000e+00> : vector<1000x32xf32>
    %dot_general3A_56 = tpu.matmul %convert_element_type3A_52, %convert_element_type3A_54, %dot_general3A_55 {dimension_numbers = #tpu.dot_dimension_numbers<[1], [0], [0], [1], [0, 0, 1, 1], [], []>, precision = #tpu.contract_precision<fp32>, transpose_lhs_hint = false} : vector<1000x32xf32>, vector<32x32xf32>, vector<1000x32xf32> -> vector<1000x32xf32>
    %slice3A_57 = vector.extract_strided_slice %get3A_28 {offsets = [32, 0], sizes = [32, 32], strides = [1, 1]} : vector<64x32xf32> to vector<32x32xf32>
    %convert_element_type3A_58 = arith.truncf %div3A_49 : vector<1000x32xf32> to vector<1000x32xbf16>
    %convert_element_type3A_59 = arith.extf %convert_element_type3A_58 : vector<1000x32xbf16> to vector<1000x32xf32>
    %convert_element_type3A_60 = arith.truncf %slice3A_57 : vector<32x32xf32> to vector<32x32xbf16>
    %convert_element_type3A_61 = arith.extf %convert_element_type3A_60 : vector<32x32xbf16> to vector<32x32xf32>
    %dot_general3A_62 = arith.constant dense<0.000000e+00> : vector<1000x32xf32>
    %dot_general3A_63 = tpu.matmul %convert_element_type3A_59, %convert_element_type3A_61, %dot_general3A_62 {dimension_numbers = #tpu.dot_dimension_numbers<[1], [0], [0], [1], [0, 0, 1, 1], [], []>, precision = #tpu.contract_precision<fp32>, transpose_lhs_hint = false} : vector<1000x32xf32>, vector<32x32xf32>, vector<1000x32xf32> -> vector<1000x32xf32>
    %add3A_64 = arith.addf %dot_general3A_56, %dot_general3A_63 : vector<1000x32xf32>
    %get3A_65 = arith.constant 0 : index
    %get3A_66 = arith.constant 0 : index
    %get3A_67 = vector.load %arg7[%get3A_65, %get3A_66] : memref<1x32xf32, #tpu.memory_space<vmem>>, vector<1x32xf32>
    %add3A_68 = vector.broadcast %get3A_67 : vector<1x32xf32> to vector<1000x32xf32>
    %add3A_69 = arith.addf %add3A_64, %add3A_68 : vector<1000x32xf32>
    %max3A_70 = arith.constant 0.000000e+00 : f32
    %max3A_71 = vector.broadcast %max3A_70 : f32 to vector<1000x32xf32>
    %max3A_72 = arith.maximumf %add3A_69, %max3A_71 : vector<1000x32xf32>
    %convert_element_type3A_73 = arith.truncf %max3A_72 : vector<1000x32xf32> to vector<1000x32xbf16>
    %convert_element_type3A_74 = arith.extf %convert_element_type3A_73 : vector<1000x32xbf16> to vector<1000x32xf32>
    %swap3A = arith.constant 0 : index
    %swap3A_75 = arith.constant 0 : index
    %swap3A_76 = vector.load %arg8[%swap3A, %swap3A_75] : memref<1000x32xf32, #tpu.memory_space<vmem>>, vector<1000x32xf32>
    tpu.vector_store %arg8[%swap3A, %swap3A_75], %convert_element_type3A_74 {strides = array<i32>} : memref<1000x32xf32, #tpu.memory_space<vmem>>, vector<1000x32xf32>,
    return
  }
  func.func @transform_0(%arg0: i32) -> (i32, i32) {
    %c0_i32 = arith.constant 0 : i32
    %c0_i32_0 = arith.constant 0 : i32
    return %arg0, %c0_i32 : i32, i32
  }
  func.func @transform_1(%arg0: i32) -> (i32, i32, i32) {
    %c0_i32 = arith.constant 0 : i32
    %c0_i32_0 = arith.constant 0 : i32
    %c0_i32_1 = arith.constant 0 : i32
    return %c0_i32, %arg0, %c0_i32_0 : i32, i32, i32
  }
  func.func @transform_2(%arg0: i32) -> (i32, i32, i32) {
    %jit3A = arith.constant 10 : i32
    %eq3A = arith.constant 0 : i32
    %eq3A_0 = arith.cmpi eq, %jit3A, %eq3A : i32
    %jit3A_1 = arith.constant 1 : i32
    %select_n3A = arith.select %eq3A_0, %jit3A_1, %jit3A : i32
    %rem3A = arith.remsi %arg0, %select_n3A : i32
    %ne3A = arith.constant 0 : i32
    %ne3A_2 = arith.cmpi ne, %rem3A, %ne3A : i32
    %lt3A = arith.constant 0 : i32
    %lt3A_3 = arith.cmpi slt, %rem3A, %lt3A : i32
    %lt3A_4 = arith.constant 0 : i32
    %lt3A_5 = arith.cmpi slt, %select_n3A, %lt3A_4 : i32
    %ne3A_6 = arith.xori %lt3A_3, %lt3A_5 : i1
    %and3A = arith.andi %ne3A_6, %ne3A_2 : i1
    %add3A = arith.addi %rem3A, %select_n3A : i32
    %select_n3A_7 = arith.select %and3A, %add3A, %rem3A : i32
    %c0_i32 = arith.constant 0 : i32
    %c0_i32_8 = arith.constant 0 : i32
    %c0_i32_9 = arith.constant 0 : i32
    return %c0_i32, %select_n3A_7, %c0_i32_8 : i32, i32, i32
  }
  func.func @transform_3(%arg0: i32) -> (i32, i32) {
    %c0_i32 = arith.constant 0 : i32
    %c0_i32_0 = arith.constant 0 : i32
    %c0_i32_1 = arith.constant 0 : i32
    return %c0_i32, %c0_i32_0 : i32, i32
  }
  func.func @transform_4(%arg0: i32) -> (i32, i32) {
    %c0_i32 = arith.constant 0 : i32
    %c0_i32_0 = arith.constant 0 : i32
    %c0_i32_1 = arith.constant 0 : i32
    return %c0_i32, %c0_i32_0 : i32, i32
  }
  func.func @transform_5(%arg0: i32) -> (i32, i32) {
    %c0_i32 = arith.constant 0 : i32
    %c0_i32_0 = arith.constant 0 : i32
    %c0_i32_1 = arith.constant 0 : i32
    return %c0_i32, %c0_i32_0 : i32, i32
  }
  func.func @transform_6(%arg0: i32) -> (i32, i32) {
    %c0_i32 = arith.constant 0 : i32
    %c0_i32_0 = arith.constant 0 : i32
    %c0_i32_1 = arith.constant 0 : i32
    return %c0_i32, %c0_i32_0 : i32, i32
  }
  func.func @transform_7(%arg0: i32) -> (i32, i32) {
    %c0_i32 = arith.constant 0 : i32
    %c0_i32_0 = arith.constant 0 : i32
    return %arg0, %c0_i32 : i32, i32
  }
}

module attributes {stable_mosaic.version = 14 : i64} {
  func.func @_tc_out_body(%arg0: i32, %arg1: memref<1000x32xf32, #tpu.memory_space<vmem>>, %arg2: memref<1000x32xf32, #tpu.memory_space<vmem>>, %arg3: memref<1000x32xf32, #tpu.memory_space<vmem>>, %arg4: memref<32x32xf32, #tpu.memory_space<vmem>>, %arg5: memref<1x32xf32, #tpu.memory_space<vmem>>, %arg6: memref<1000x32xf32, #tpu.memory_space<vmem>>, %arg7: memref<1000x1xf32, #tpu.memory_space<vmem>>) attributes {dimension_semantics = [#tpu.dimension_semantics<arbitrary>], iteration_bounds = array<i64: 10>, scalar_prefetch = 0 : i64, scratch_operands = 0 : i64, tpu.core_type = #tpu.core_type<tc>, window_params = [{transform_indices = @transform_0, window_bounds = array<i64: 1000, 32>}, {transform_indices = @transform_1, window_bounds = array<i64: 1000, 32>}, {transform_indices = @transform_2, window_bounds = array<i64: 1000, 32>}, {pipeline_mode = #tpu.pipeline_mode<synchronous>, transform_indices = @transform_3, window_bounds = array<i64: 32, 32>}, {pipeline_mode = #tpu.pipeline_mode<synchronous>, transform_indices = @transform_4, window_bounds = array<i64: 1, 32>}, {transform_indices = @transform_5, window_bounds = array<i64: 1000, 32>}, {transform_indices = @transform_6, window_bounds = array<i64: 1000, 1>}]} {
    %get3A = arith.constant 0 : index
    %get3A_0 = arith.constant 0 : index
    %get3A_1 = vector.load %arg4[%get3A, %get3A_0] : memref<32x32xf32, #tpu.memory_space<vmem>>, vector<32x32xf32>
    %get3A_2 = arith.constant 0 : index
    %get3A_3 = arith.constant 0 : index
    %get3A_4 = vector.load %arg5[%get3A_2, %get3A_3] : memref<1x32xf32, #tpu.memory_space<vmem>>, vector<1x32xf32>
    %get3A_5 = arith.constant 0 : index
    %get3A_6 = arith.constant 0 : index
    %get3A_7 = vector.load %arg1[%get3A_5, %get3A_6] : memref<1000x32xf32, #tpu.memory_space<vmem>>, vector<1000x32xf32>
    %convert_element_type3A = arith.truncf %get3A_7 : vector<1000x32xf32> to vector<1000x32xbf16>
    %convert_element_type3A_8 = arith.extf %convert_element_type3A : vector<1000x32xbf16> to vector<1000x32xf32>
    %convert_element_type3A_9 = arith.truncf %get3A_1 : vector<32x32xf32> to vector<32x32xbf16>
    %convert_element_type3A_10 = arith.extf %convert_element_type3A_9 : vector<32x32xbf16> to vector<32x32xf32>
    %dot_general3A = arith.constant dense<0.000000e+00> : vector<1000x32xf32>
    %dot_general3A_11 = tpu.matmul %convert_element_type3A_8, %convert_element_type3A_10, %dot_general3A {dimension_numbers = #tpu.dot_dimension_numbers<[1], [0], [0], [1], [0, 0, 1, 1], [], []>, precision = #tpu.contract_precision<fp32>, transpose_lhs_hint = false} : vector<1000x32xf32>, vector<32x32xf32>, vector<1000x32xf32> -> vector<1000x32xf32>
    %add3A = vector.broadcast %get3A_4 : vector<1x32xf32> to vector<1000x32xf32>
    %add3A_12 = arith.addf %dot_general3A_11, %add3A : vector<1000x32xf32>
    %swap3A = arith.constant 0 : index
    %swap3A_13 = arith.constant 0 : index
    %swap3A_14 = vector.load %arg6[%swap3A, %swap3A_13] : memref<1000x32xf32, #tpu.memory_space<vmem>>, vector<1000x32xf32>
    tpu.vector_store %arg6[%swap3A, %swap3A_13], %add3A_12 {strides = array<i32>} : memref<1000x32xf32, #tpu.memory_space<vmem>>, vector<1000x32xf32>,
    %get3A_15 = arith.constant 0 : index
    %get3A_16 = arith.constant 0 : index
    %get3A_17 = vector.load %arg2[%get3A_15, %get3A_16] : memref<1000x32xf32, #tpu.memory_space<vmem>>, vector<1000x32xf32>
    %convert_element_type3A_18 = arith.truncf %get3A_17 : vector<1000x32xf32> to vector<1000x32xbf16>
    %convert_element_type3A_19 = arith.extf %convert_element_type3A_18 : vector<1000x32xbf16> to vector<1000x32xf32>
    %convert_element_type3A_20 = arith.truncf %get3A_1 : vector<32x32xf32> to vector<32x32xbf16>
    %convert_element_type3A_21 = arith.extf %convert_element_type3A_20 : vector<32x32xbf16> to vector<32x32xf32>
    %dot_general3A_22 = arith.constant dense<0.000000e+00> : vector<1000x32xf32>
    %dot_general3A_23 = tpu.matmul %convert_element_type3A_19, %convert_element_type3A_21, %dot_general3A_22 {dimension_numbers = #tpu.dot_dimension_numbers<[1], [0], [0], [1], [0, 0, 1, 1], [], []>, precision = #tpu.contract_precision<fp32>, transpose_lhs_hint = false} : vector<1000x32xf32>, vector<32x32xf32>, vector<1000x32xf32> -> vector<1000x32xf32>
    %add3A_24 = vector.broadcast %get3A_4 : vector<1x32xf32> to vector<1000x32xf32>
    %add3A_25 = arith.addf %dot_general3A_23, %add3A_24 : vector<1000x32xf32>
    %get3A_26 = arith.constant 0 : index
    %get3A_27 = arith.constant 0 : index
    %get3A_28 = vector.load %arg3[%get3A_26, %get3A_27] : memref<1000x32xf32, #tpu.memory_space<vmem>>, vector<1000x32xf32>
    %convert_element_type3A_29 = arith.truncf %get3A_28 : vector<1000x32xf32> to vector<1000x32xbf16>
    %convert_element_type3A_30 = arith.extf %convert_element_type3A_29 : vector<1000x32xbf16> to vector<1000x32xf32>
    %convert_element_type3A_31 = arith.truncf %get3A_1 : vector<32x32xf32> to vector<32x32xbf16>
    %convert_element_type3A_32 = arith.extf %convert_element_type3A_31 : vector<32x32xbf16> to vector<32x32xf32>
    %dot_general3A_33 = arith.constant dense<0.000000e+00> : vector<1000x32xf32>
    %dot_general3A_34 = tpu.matmul %convert_element_type3A_30, %convert_element_type3A_32, %dot_general3A_33 {dimension_numbers = #tpu.dot_dimension_numbers<[1], [0], [0], [1], [0, 0, 1, 1], [], []>, precision = #tpu.contract_precision<fp32>, transpose_lhs_hint = false} : vector<1000x32xf32>, vector<32x32xf32>, vector<1000x32xf32> -> vector<1000x32xf32>
    %add3A_35 = vector.broadcast %get3A_4 : vector<1x32xf32> to vector<1000x32xf32>
    %add3A_36 = arith.addf %dot_general3A_34, %add3A_35 : vector<1000x32xf32>
    %add3A_37 = arith.addf %add3A_25, %add3A_36 : vector<1000x32xf32>
    %mul3A = arith.constant 5.000000e-01 : f32
    %mul3A_38 = vector.broadcast %mul3A : f32 to vector<1000x32xf32>
    %mul3A_39 = arith.mulf %add3A_37, %mul3A_38 : vector<1000x32xf32>
    %sub3A = arith.subf %add3A_25, %mul3A_39 : vector<1000x32xf32>
    %sub3A_40 = arith.subf %add3A_36, %mul3A_39 : vector<1000x32xf32>
    %mul3A_41 = arith.mulf %sub3A, %sub3A : vector<1000x32xf32>
    %reduce_sum3A = arith.constant dense<0.000000e+00> : vector<1000xf32>
    %reduce_sum3A_42 = vector.multi_reduction <add>, %mul3A_41, %reduce_sum3A [1] : vector<1000x32xf32> to vector<1000xf32>
    %broadcast_in_dim3A = vector.shape_cast %reduce_sum3A_42 : vector<1000xf32> to vector<1000x1xf32>
    %mul3A_43 = arith.mulf %sub3A_40, %sub3A_40 : vector<1000x32xf32>
    %reduce_sum3A_44 = arith.constant dense<0.000000e+00> : vector<1000xf32>
    %reduce_sum3A_45 = vector.multi_reduction <add>, %mul3A_43, %reduce_sum3A_44 [1] : vector<1000x32xf32> to vector<1000xf32>
    %broadcast_in_dim3A_46 = vector.shape_cast %reduce_sum3A_45 : vector<1000xf32> to vector<1000x1xf32>
    %add3A_47 = arith.addf %broadcast_in_dim3A, %broadcast_in_dim3A_46 : vector<1000x1xf32>
    %max3A = arith.constant 9.99999997E-7 : f32
    %max3A_48 = vector.broadcast %max3A : f32 to vector<1000x1xf32>
    %max3A_49 = arith.maximumf %add3A_47, %max3A_48 : vector<1000x1xf32>
    %swap3A_50 = arith.constant 0 : index
    %swap3A_51 = arith.constant 0 : index
    %swap3A_52 = vector.load %arg7[%swap3A_50, %swap3A_51] : memref<1000x1xf32, #tpu.memory_space<vmem>>, vector<1000x1xf32>
    tpu.vector_store %arg7[%swap3A_50, %swap3A_51], %max3A_49 {strides = array<i32>} : memref<1000x1xf32, #tpu.memory_space<vmem>>, vector<1000x1xf32>,
    return
  }
  func.func @transform_0(%arg0: i32) -> (i32, i32) {
    %c0_i32 = arith.constant 0 : i32
    %c0_i32_0 = arith.constant 0 : i32
    return %arg0, %c0_i32 : i32, i32
  }
  func.func @transform_1(%arg0: i32) -> (i32, i32) {
    %add3A = arith.constant 10 : i32
    %add3A_0 = arith.addi %add3A, %arg0 : i32
    %c0_i32 = arith.constant 0 : i32
    %c0_i32_1 = arith.constant 0 : i32
    return %add3A_0, %c0_i32 : i32, i32
  }
  func.func @transform_2(%arg0: i32) -> (i32, i32) {
    %add3A = arith.constant 20 : i32
    %add3A_0 = arith.addi %add3A, %arg0 : i32
    %c0_i32 = arith.constant 0 : i32
    %c0_i32_1 = arith.constant 0 : i32
    return %add3A_0, %c0_i32 : i32, i32
  }
  func.func @transform_3(%arg0: i32) -> (i32, i32) {
    %c0_i32 = arith.constant 0 : i32
    %c0_i32_0 = arith.constant 0 : i32
    %c0_i32_1 = arith.constant 0 : i32
    return %c0_i32, %c0_i32_0 : i32, i32
  }
  func.func @transform_4(%arg0: i32) -> (i32, i32) {
    %c0_i32 = arith.constant 0 : i32
    %c0_i32_0 = arith.constant 0 : i32
    %c0_i32_1 = arith.constant 0 : i32
    return %c0_i32, %c0_i32_0 : i32, i32
  }
  func.func @transform_5(%arg0: i32) -> (i32, i32) {
    %c0_i32 = arith.constant 0 : i32
    %c0_i32_0 = arith.constant 0 : i32
    return %arg0, %c0_i32 : i32, i32
  }
  func.func @transform_6(%arg0: i32) -> (i32, i32) {
    %c0_i32 = arith.constant 0 : i32
    %c0_i32_0 = arith.constant 0 : i32
    return %arg0, %c0_i32 : i32, i32
  }
}

</mosaic_0001>

<sc_bundles>
// kernel: kernel.14.cloned.1.call-start
scs
__scs_entry_jumppad:
0x0: {  	(pc) =	sbr.rel $0x88, $3  }
0x1: {  	(tag) =	ssettag $0x0;
	lr =	simm.s32 $0x1  }
0x2: {  	[smem:$0x3F92] =	sst lr;
	_ =	strace $0xD0000000  }
0x3: {  	_ = 	snop  }
0x4: {  	_ = 	snop  }
0x5: {  	_ = 	snop  }
0x6: {  	_ = 	snop  }
0x7: {  	_ = 	snop  }
__scs_overlays_trampoline_lowered:
0x8: {  	[smem:$0x3FA1] =	sst s0  }
0x9: {  	[smem:$0x3FA2] =	sst s1  }
0xa: {  	[smem:$0x3FA3] =	sst s2  }
0xb: {  	[smem:$0x3FA4] =	sst s3  }
0xc: {  	[smem:$0x3FA5] =	sst s4  }
0xd: {  	[smem:$0x3FA6] =	sst s5  }
0xe: {  	[smem:$0x3FA7] =	sst s6  }
0xf: {  	[smem:$0x3FA8] =	sst s7  }
0x10: {  	[smem:$0x3FA9] =	sst s8  }
0x11: {  	[smem:$0x3FAA] =	sst s9;
	s0 =	simm.s32 @!p0 $0x0  }
0x12: {  	s1 =	sld [smem:$0x3F90];
	s0 =	simm.s32 @p0 $0x1  }
0x13: {  	[smem:$0x3FAB] =	sst s0;
	s0 =	simm.s32 @!p1 $0x0  }
0x14: {  	s2 =	sld [smem:$0x3F8F];
	s0 =	simm.s32 @p1 $0x1  }
0x15: {  	[smem:$0x3FAC] =	sst s0;
	s0 =	simm.s32 @!p2 $0x0  }
0x16: {  	s3 =	sld [smem:$0x3FDB];
	s0 =	simm.s32 @p2 $0x1  }
0x17: {  	s4 =	simm.s32 $0x1BF5;
	[smem:$0x3FAE] =	sst s0  }
0x18: {  	s0 =	sld [smem:$0x3F91];
	_ =	swait.ge [sflag:s4], $0x0  }
0x19: {  	s7 =	sld [smem:$0x3F92]  }
0x1a: {  	s8 =	sadd.s32 $0xFFFFE003, lr  }
0x1b: {  	s9 =	sadd.s32 $0xFFFFFEF7, lr;
	s5 =	simm.s32 $0xFFFFFFFF;
	p2 =	slt.u32 s8, $0xFFFFF086  }
0x1c: {  	p1 =	slt.u32 s9, $0xF7A;
	s5 =	simm.s32 @!p2 $0x0  }
0x1d: {  	s5 =	simm.s32 @p1 $0x1;
	p0 =	seq.s32 s7, s2  }
0x1e: {  	s7 =	smul.u32 @!p0 $0xF7A, s2;
	p2 =	seq.s32 @!p0 s5, $0x0  }
0x1f: {  	s9 =	smul.u32 $0xF7A, s1;
	s8 =	simm.s32 @!p0 $0x1BF5;
	p2 =	por !p2, p0  }
0x20: {  	[sflag:s8] =	ssyncset.s32 @!p0 $0xFFFFF086;
	s6 =	sadd.s32 @!p0 s3, s7;
	s7 =	simm.s32 @!p0 $0x108  }
0x21: {  	s3 =	sadd.s32 s3, s9;
	s6 =	sadd.s32 @!p0 $0x88, s6;
	s7 =	simm.s32 @p2 $0x1082  }
0x22: {  	[simem:s7], [sflag:s8] =	dma.local @!p0 [hbm:s6], $0xF7A  }
0x23: {  	s9 =	sor.u32 $0xD0000000, s2;
	s6 =	simm.s32 $0x108;
	_ =	swait.ge @!p0 [sflag:s8], $0x0  }
0x24: {  	s3 =	sadd.s32 $0x88, s3;
	s6 =	simm.s32 @!p1 $0x1082;
	[sflag:s4] =	ssyncset.s32 $0xFFFFF086  }
0x25: {  	[simem:s6], [sflag:s4] =	dma.local [hbm:s3], $0xF7A  }
0x26: {  	[smem:$0x3F92] =	sst s1;
	(tag) =	ssettag s2;
	_ =	strace s9  }
0x27: {  	s1 =	sld [smem:$0x3FA2]  }
0x28: {  	s2 =	sld [smem:$0x3FA3]  }
0x29: {  	s4 =	sld [smem:$0x3FA5]  }
0x2a: {  	p0 =	seq.s32 s5, $0x0;
	s5 =	sld [smem:$0x3FA6]  }
0x2b: {  	s6 =	sld [smem:$0x3FA7]  }
0x2c: {  	s7 =	sld [smem:$0x3FA8]  }
0x2d: {  	s3 =	simm.s32 $0x108;
	s8 =	sld [smem:$0x3FA9]  }
0x2e: {  	s3 =	simm.s32 @!p0 $0x1082;
	s9 =	sld [smem:$0x3FAA]  }
0x2f: {  	lr =	sadd.s32 s0, s3;
	s0 =	sld [smem:$0x3FA1]  }
0x30: {  	s3 =	sld [smem:$0x3FA4]  }
0x31: {  	[smem:$0x3FAD] =	sst s10  }
0x32: {  	s10 =	sld [smem:$0x3FAB];
	_ =	sdelay $0x3  }
0x33: {  	p0 =	seq.s32 s10, $0x1;
	s10 =	sld [smem:$0x3FAD];
	_ =	sdelay $0x3  }
0x34: {  	[smem:$0x3FAD] =	sst s10  }
0x35: {  	s10 =	sld [smem:$0x3FAC];
	_ =	sdelay $0x3  }
0x36: {  	p1 =	seq.s32 s10, $0x1;
	s10 =	sld [smem:$0x3FAD];
	_ =	sdelay $0x3  }
0x37: {  	[smem:$0x3FAD] =	sst s10  }
0x38: {  	s10 =	sld [smem:$0x3FAE]  }
0x39: {  	_ = 	snop;
	(pc) =	sbr.ind lr, $3  }
0x3a: {  	_ = 	snop  }
0x3b: {  	_ = 	snop  }
0x3c: {  	p2 =	seq.s32 s10, $0x1;
	s10 =	sld [smem:$0x3FAD]  }
0x3d: {  	_ =	shalt  }
0x3e: {  	_ =	shalt  }
0x3f: {  	_ =	shalt  }
0x40: {  	_ =	shalt  }
0x41: {  	_ =	shalt  }
0x42: {  	_ =	shalt  }
0x43: {  	_ =	shalt  }
0x44: {  	_ =	shalt  }
0x45: {  	_ =	shalt  }
0x46: {  	_ =	shalt  }
0x47: {  	_ =	shalt  }
0x48: {  	_ =	shalt  }
0x49: {  	_ =	shalt  }
0x4a: {  	_ =	shalt  }
0x4b: {  	_ =	shalt  }
0x4c: {  	_ =	shalt  }
0x4d: {  	_ =	shalt  }
0x4e: {  	_ =	shalt  }
0x4f: {  	_ =	shalt  }
0x50: {  	_ =	shalt  }
0x51: {  	_ =	shalt  }
0x52: {  	_ =	shalt  }
0x53: {  	_ =	shalt  }
0x54: {  	_ =	shalt  }
0x55: {  	_ =	shalt  }
0x56: {  	_ =	shalt  }
0x57: {  	_ =	shalt  }
0x58: {  	_ =	shalt  }
0x59: {  	_ =	shalt  }
0x5a: {  	_ =	shalt  }
0x5b: {  	_ =	shalt  }
0x5c: {  	_ =	shalt  }
0x5d: {  	_ =	shalt  }
0x5e: {  	_ =	shalt  }
0x5f: {  	_ =	shalt  }
0x60: {  	_ =	shalt  }
0x61: {  	_ =	shalt  }
0x62: {  	_ =	shalt  }
0x63: {  	_ =	shalt  }
0x64: {  	_ =	shalt  }
0x65: {  	_ =	shalt  }
0x66: {  	_ =	shalt  }
0x67: {  	_ =	shalt  }
0x68: {  	_ =	shalt  }
0x69: {  	_ =	shalt  }
0x6a: {  	_ =	shalt  }
0x6b: {  	_ =	shalt  }
0x6c: {  	_ =	shalt  }
0x6d: {  	_ =	shalt  }
0x6e: {  	_ =	shalt  }
0x6f: {  	_ =	shalt  }
0x70: {  	_ =	shalt  }
0x71: {  	_ =	shalt  }
0x72: {  	_ =	shalt  }
0x73: {  	_ =	shalt  }
0x74: {  	_ =	shalt  }
0x75: {  	_ =	shalt  }
0x76: {  	_ =	shalt  }
0x77: {  	_ =	shalt  }
0x78: {  	_ =	shalt  }
0x79: {  	_ =	shalt  }
0x7a: {  	_ =	shalt  }
0x7b: {  	_ =	shalt  }
0x7c: {  	_ =	shalt  }
0x7d: {  	_ =	shalt  }
0x7e: {  	_ =	shalt  }
0x7f: {  	_ =	shalt  }
0x80: {  	_ =	shalt  }
0x81: {  	_ =	shalt  }
0x82: {  	_ =	shalt  }
0x83: {  	_ =	shalt  }
0x84: {  	_ =	shalt  }
0x85: {  	_ =	shalt  }
0x86: {  	_ =	shalt  }
0x87: {  	_ =	shalt  }
.Lfunc_end0:
.L_simem_size_0:
called_computation.1_lowered:
.L_overlay_start_0:
0x88: {  	s2 =	sld [smem:$0x3FD9]  }
0x89: {  	s3 =	sld [smem:$0x3FFE];
	_ =	sdelay $0x1  }
0x8a: {  	s1 =	srdreg.scid  }
0x8b: {  	s0 =	sand.u32 $0x1, s1  }
0x8c: {  	s15 =	sshll.u32 s0, $0xA;
	s2 =	sadd.s32 s3, s2  }
0x8d: {  	s2 =	sadd.s32 s2, s15  }
0x8e: {  	[smem:$0x3FB9] =	sst s2  }
0x8f: {  	_ = 	snop  }
0x90: {  	s2 =	sld [smem:$0x3FD0];
	_ =	sdelay $0x2  }
0x91: {  	s16 =	simm.s32 $0xB;
	s4 =	simm.s32 $0x10  }
0x92: {  	[smem:s4], [sflag:s16] =	dma.local [hbm:s2], $0x1  }
0x93: {  	_ =	swait.eq [sflag:s16], $0x1  }
0x94: {  	[sflag:s16] =	ssyncset.done $0x0  }
0x95: {  	[sflag:s16] =	ssyncadd.s32 $0xFFFFFFFF  }
0x96: {  	s17 =	sld [smem:$0x11];
	(tm) =	ssettm $0x1  }
0x97: {  	s18 =	sld [smem:$0x3FFB];
	_ =	sdelay $0x3  }
0x98: {  	_ =	strace s18  }
0x99: {  	s2 =	sld [smem:$0x3FFC];
	_ =	sdelay $0x3  }
0x9a: {  	_ =	strace s2  }
0x9b: {  	s2 =	sld [smem:$0x3FFD];
	_ =	sdelay $0x3  }
0x9c: {  	_ =	strace s2  }
0x9d: {  	_ =	strace $0x8FFFFFFF  }
0x9e: {  	s19 =	sld [smem:$0x3FDB];
	_ =	sdelay $0x1  }
0x9f: {  	s20 =	simm.s32 $_scs_section_size  }
0xa0: {  	s5 =	simm.s32 $_size__tile_overlayer_lowered;
	s6 =	simm.s32 $_tile_overlayer_lowered  }
0xa1: {  	s7 =	simm.s32 $0x1BFF;
	s21 =	sshll.u32 s6, $0x1;
	s4 =	sadd.s32 s20, s19  }
0xa2: {  	s22 =	simm.s32 $0x0;
	s5 =	sshll.u32 s5, $0x1;
	s6 =	sadd.s32 s21, s4  }
0xa3: {  	[timem:s22], [sflag:s7] =	dma.local [hbm:s6], s5  }
0xa4: {  	_ =	swait.ge [sflag:s7], s5  }
0xa5: {  	s5 =	ssub.s32 $0x0, s5;
	[sflag:s7] =	ssyncset.done $0x0  }
0xa6: {  	[sflag:s7] =	ssyncadd.s32 s5;
	_ =	sdelay $0x1  }
0xa7: {  	s23 =	simm.s32 $0x1B8B  }
0xa8: {  	_ =	swait.ge [sflag:s23], $0x1  }
0xa9: {  	[sflag:s23] =	ssyncset.done $0x0  }
0xaa: {  	[sflag:s23] =	ssyncadd.s32 $0xFFFFFFFF  }
0xab: {  	s5 =	sld [smem:$0x0]  }
0xac: {  	s6 =	sand.u32 $0xFFFFFFFE, s1  }
0xad: {  	p0 =	sne.s32 s1, s6  }
0xae: {  	s6 =	sshll.u32 @p0 s6, $0xE  }
0xaf: {  	s6 =	sadd.s32 @p0 $0x11B8D, s6;
	s7 =	sshll.u32 @p0 s5, $0x11  }
0xb0: {  	s6 =	sor.u32 @p0 s7, s6  }
0xb1: {  	[sflag:s6] =	ssyncadd.remote.s32 @p0 $0x1;
	_ =	sdelay $0x1  }
0xb2: {  	s6 =	simm.s32 @p0 $0x1B8D  }
0xb3: {  	_ =	swait.eq @p0 [sflag:s6], $0x1  }
0xb4: {  	[sflag:s6] =	ssyncadd.s32 @p0 $0xFFFFFFFF  }
0xb5: {  	s7 =	sshll.u32 @!p0 s1, $0xE  }
0xb6: {  	s7 =	sor.u32 @!p0 $0x4000, s7;
	s6 =	simm.s32 @!p0 $0x1B8D  }
0xb7: {  	s5 =	sshll.u32 @!p0 s5, $0x11;
	s7 =	sadd.s32 @!p0 $0x11B8D, s7;
	_ =	swait.eq @!p0 [sflag:s6], $0x1  }
0xb8: {  	s5 =	sor.u32 @!p0 s5, s7;
	[sflag:s6] =	ssyncadd.s32 @!p0 $0xFFFFFFFF  }
0xb9: {  	s25 =	simm.s32 $0x1B8E;
	s24 =	sld [smem:$0x3FFE];
	[sflag:s5] =	ssyncadd.remote.s32 @!p0 $0x1  }
0xba: {  	s26 =	simm.s32 $execute0_lowered;
	[smem:$0x3FD2] =	sst s25  }
0xbb: {  	s6 =	sshll.u32 s26, $0x1;
	_ =	strace $0x80000049;
	[dreg:$0x1] =	wrdreg $0xFFFFFFFF  }
0xbc: {  	s28 =	simm.s32 $_size_execute0_lowered;
	s4 =	sadd.s32 s4, s6;
	[dreg:$0x0] =	wrdreg $0x0  }
0xbd: {  	s6 =	sshll.u32 s28, $0x1;
	[dreg:$0x2] =	wrdreg s4  }
0xbe: {  	[dreg:$0x3] =	wrdreg s6  }
0xbf: {  	[dreg:$0x4] =	wrdreg $0xC0  }
0xc0: {  	_ =	task [dreg:s22], $0x5FFFF  }
0xc1: {  	[dreg:$0x1] =	wrdreg $0xFFFFFFFF  }
0xc2: {  	[dreg:$0x0] =	wrdreg $0x60  }
0xc3: {  	[dreg:$0x2] =	wrdreg s17  }
0xc4: {  	[dreg:$0x3] =	wrdreg s24  }
0xc5: {  	[dreg:$0x4] =	wrdreg $0x38000  }
0xc6: {  	[dreg:$0x5] =	wrdreg $0xA  }
0xc7: {  	_ =	task.clear_ibuf [dreg:s22], $0x6FFFF;
	_ =	strace $0x90000049  }
0xc8: {  	s29 =	simm.s32 $0xA;
	_ =	strace $0x8000004B  }
0xc9: {  	_ =	swait.ge [sflag:s29], $0x1  }
0xca: {  	[sflag:s29] =	ssyncadd.s32 $0xFFFFFFFF  }
0xcb: {  	_ =	strace $0x9000004B  }
0xcc: {  	_ =	sfence  }
0xcd: {  	s30 =	sld [smem:$0x0];
	_ =	sdelay $0x2  }
0xce: {  	s31 =	sshll.u32 s1, $0xD;
	s1 =	sshrl.u32 s1, $0x2  }
0xcf: {  	s4 =	sand.u32 $0x4000, s31;
	s1 =	sadd.s32 s1, s30  }
0xd0: {  	s0 =	sor.u32 s4, s0;
	s1 =	sshll.u32 s1, $0x11  }
0xd1: {  	s0 =	sor.u32 s1, s0  }
0xd2: {  	s0 =	sadd.s32 $0x8F2B, s0  }
0xd3: {  	[sflag:s0] =	ssyncadd.remote.s32 $0x1  }
0xd4: {  	_ =	sfence.sel $0xFFFF  }
0xd5: {  	[dreg:$0x0] =	wrdreg $0xFFFFFFFF;
	(pc) =	sbr.abs _section_cstart, $3  }
0xd6: {  	[dreg:$0x1] =	wrdreg $0xFFFFFFFF  }
0xd7: {  	_ =	task.clear_ibuf [dreg:s22], $0x2FFFF;
	_ =	strace $0x9FFFFFFF  }
0xd8: {  	(tm) =	ssettm $0x7FFFFFFF  }
0xd9: {  	_ =	shalt  }
tec
execute0_lowered:
.L_overlay_start_1:
0x0: {  	(tag) =	ssettag $0x1  }
0x1: {  	s2 =	rddreg [dreg:$0x0]  }
0x2: {  	s6 =	rddreg [dreg:$0x1]  }
0x3: {  	s0 =	srdreg.scid;
	s3 =	rddreg [dreg:$0x2]  }
0x4: {  	s1 =	stileid.u32;
	s4 =	simm.s32 $0x0;
	s12 =	simm.s32 $0x2800  }
0x5: {  	s13 =	simm.s32 $0x80;
	s5 =	sand.u32 $0x1, s0;
	s0 =	rddreg [dreg:$0x3]  }
0x6: {  	s14 =	simm.s32 $0x0;
	s8 =	smul.u32 $0x4F00, s1;
	[smem:$0x7FF] =	sst s4  }
0x7: {  	s31 =	sshll.u32 s1, $0x6;
	s7 =	sshll.u32 s5, $0x4;
	s9 =	smul.u32 $0x4F000, s5  }
0x8: {  	_ =	strace $0x8000004A;
	s10 =	ssub.s32 $0x2, s5;
	s7 =	sor.u32 s1, s7  }
0x9: {  	s5 =	sadd.s32 $0x116600, s6;
	s7 =	smul.u32 $0x500, s7;
	s9 =	sadd.s32 s8, s9  }
0xa: {  	s30 =	sshrl.u32 s10, $0x1;
	s11 =	sadd.s32 s8, s3;
	s9 =	sshrl.u32 s9, $0x3  }
0xb: {  	s10 =	ssub.s32 s10, s30;
	s7 =	sadd.s32 s7, s6;
	s9 =	sadd.s32 s9, s6  }
0xc: {  	s6 =	sor.u32 $0x1C01, s31;
	s7 =	sadd.s32 $0x10C600, s7;
	s8 =	sadd.s32 $0x117000, s9  }
0xd: {  	s9 =	smax.u32 s10, $0x1;
	s10 =	sshrl.u32 s11, $0x3;
	s11 =	simm.s32 $0x1  }
.LBB2_1:
0xe: {  	[spmem:s10], [sflag:s6] =	dma.local [hbm:s5], $0x9E0  }
0xf: {  	_ =	swait.ge [sflag:s11], $0x9E0  }
0x10: {  	[sflag:s11] =	ssyncset.done $0x0  }
0x11: {  	[sflag:s11] =	ssyncadd.s32 $0xFFFFF620  }
0x12: {  	[tilespmem:s4], [sflag:$0x1] =	stream.linear.gather [hbm4b:s7+s4], $0x2800, $0x38;
	[tilespmem:$0x8700] =	vst v63  }
0x13: {  	_ =	swait.ge [sflag:s11], $0x2800  }
0x14: {  	[sflag:s11] =	ssyncset.done $0x0  }
0x15: {  	[sflag:s11] =	ssyncadd.s32 $0xFFFFD800  }
0x16: {  	[tilespmem:s12], [sflag:$0x1] =	stream.linear.gather [hbm4b:s2+s4], $0x1000, $0x38;
	[tilespmem:$0x8700] =	vst v63  }
0x17: {  	_ =	swait.ge [sflag:s11], $0x1000  }
0x18: {  	[sflag:s11] =	ssyncset.done $0x0  }
0x19: {  	[sflag:s11] =	ssyncadd.s32 $0xFFFFF000  }
0x1a: {  	s15 =	simm.s32 $0x0;
	[bflag:$0x0] =	sbarrier.arrive $0xFFFF  }
0x1b: {  	[spmem:s3] =	stream.indirect.scatter.add.f32 [tilespmem:s12], [sflag:$0x1], $0x20, s15, s13, $0xb8;
	[tilespmem:$0x8700] =	vst v63  }
0x1c: {  	_ =	swait.ge [sflag:s11], $0x1000  }
0x1d: {  	s15 =	simm.s32 $0x200;
	[sflag:s11] =	ssyncset.done $0x0  }
.LBB2_2:
0x1e: {  	s16 =	sshra.s32 s15, $0x2;
	[sflag:s11] =	ssyncadd.s32 $0xFFFFF000;
	p0 =	sne.s32 s15, $0x9E00  }
0x1f: {  	[spmem:s3] =	stream.indirect.scatter.add.f32 [tilespmem:s12], [sflag:$0x1], $0x20, s16, s13, $0xb8;
	[tilespmem:$0x8700] =	vst v63  }
.Ltmp0:
0x20: {  	_ = 	snop;
	(pc) =	sbr.rel @p0 .LBB2_2-.Ltmp0, $4  }
0x21: {  	_ = 	snop  }
0x22: {  	s15 =	sadd.s32 $0x200, s15  }
0x23: {  	_ =	swait.ge [sflag:s11], $0x1000  }
0x24: {  	[sflag:s11] =	ssyncset.done $0x0  }
0x25: {  	s14 =	sadd.s32 $0x1, s14  }
0x26: {  	[sflag:s11] =	ssyncadd.s32 $0xFFFFF000;
	p0 =	sne.s32 s14, s9  }
.Ltmp1:
0x27: {  	[bflag:$0x0] =	sbarrier.arrive $0xFFFF;
	(pc) =	sbr.rel @p0 .LBB2_1-.Ltmp1, $4  }
0x28: {  	[hbm:s8], [sflag:s6] =	dma.local [spmem:s10], $0x9E0  }
0x29: {  	_ =	swait.ge [sflag:s11], $0x9E0  }
0x2a: {  	[sflag:s11] =	ssyncset.done $0x0  }
0x2b: {  	[sflag:s11] =	ssyncadd.s32 $0xFFFFF620  }
0x2c: {  	_ =	sfence.sel $0x180000  }
0x2d: {  	[bflag:$0x0] =	sbarrier.arrive $0xFFFF  }
0x2e: {  	p0 =	sne.s32 s1, $0x0;
	_ =	strace $0x9000004A  }
0x2f: {  	s0 =	sadd.s32 @!p0 $0x100000, s0;
	[bflag:$0x2] =	sbarrier.arrive $0xFFFF  }
0x30: {  	[sflag:s0] =	ssyncadd.tile.s32 @!p0 $0x1;
	_ =	shalt  }
.Lfunc_end2:
_tile_overlayer_lowered:
.L_overlay_start_2:
0x31: {  	(tag) =	ssettag $0x2  }
0x32: {  	s0 =	rddreg [dreg:$0x0];
	s2 =	stileid.u32  }
0x33: {  	s1 =	rddreg [dreg:$0x1];
	p0 =	sne.s32 s2, $0x0  }
0x34: {  	s3 =	rddreg [dreg:$0x2];
	[bflag:$0x3] =	sbarrier.arrive $0xFFFF;
	s2 =	simm.s32 @!p0 $0x1C01  }
0x35: {  	[timem:s3], [sflag:s2] =	dma.local @!p0 [hbm:s0], s1  }
0x36: {  	s0 =	simm.s32 @!p0 $0x1  }
0x37: {  	_ =	swait.ge @!p0 [sflag:s0], s1  }
0x38: {  	s1 =	ssub.s32 @!p0 $0x0, s1;
	[sflag:s0] =	ssyncset.done @!p0 $0x0  }
0x39: {  	[sflag:s0] =	ssyncadd.s32 @!p0 s1  }
0x3a: {  	[bflag:$0x3] =	sbarrier.arrive $0xFFFF  }
0x3b: {  	_ =	shalt  }

// kernel: kernel.17.cloned.1.call-start
scs
__scs_entry_jumppad:
0x0: {  	(pc) =	sbr.rel $0x88, $3  }
0x1: {  	(tag) =	ssettag $0x0;
	lr =	simm.s32 $0x1  }
0x2: {  	[smem:$0x3F92] =	sst lr;
	_ =	strace $0xD0000000  }
0x3: {  	_ = 	snop  }
0x4: {  	_ = 	snop  }
0x5: {  	_ = 	snop  }
0x6: {  	_ = 	snop  }
0x7: {  	_ = 	snop  }
__scs_overlays_trampoline_lowered:
0x8: {  	[smem:$0x3FA1] =	sst s0  }
0x9: {  	[smem:$0x3FA2] =	sst s1  }
0xa: {  	[smem:$0x3FA3] =	sst s2  }
0xb: {  	[smem:$0x3FA4] =	sst s3  }
0xc: {  	[smem:$0x3FA5] =	sst s4  }
0xd: {  	[smem:$0x3FA6] =	sst s5  }
0xe: {  	[smem:$0x3FA7] =	sst s6  }
0xf: {  	[smem:$0x3FA8] =	sst s7  }
0x10: {  	[smem:$0x3FA9] =	sst s8  }
0x11: {  	[smem:$0x3FAA] =	sst s9;
	s0 =	simm.s32 @!p0 $0x0  }
0x12: {  	s1 =	sld [smem:$0x3F90];
	s0 =	simm.s32 @p0 $0x1  }
0x13: {  	[smem:$0x3FAB] =	sst s0;
	s0 =	simm.s32 @!p1 $0x0  }
0x14: {  	s2 =	sld [smem:$0x3F8F];
	s0 =	simm.s32 @p1 $0x1  }
0x15: {  	[smem:$0x3FAC] =	sst s0;
	s0 =	simm.s32 @!p2 $0x0  }
0x16: {  	s3 =	sld [smem:$0x3FDB];
	s0 =	simm.s32 @p2 $0x1  }
0x17: {  	s4 =	simm.s32 $0x1BF5;
	[smem:$0x3FAE] =	sst s0  }
0x18: {  	s0 =	sld [smem:$0x3F91];
	_ =	swait.ge [sflag:s4], $0x0  }
0x19: {  	s7 =	sld [smem:$0x3F92]  }
0x1a: {  	s8 =	sadd.s32 $0xFFFFE003, lr  }
0x1b: {  	s9 =	sadd.s32 $0xFFFFFEF7, lr;
	s5 =	simm.s32 $0xFFFFFFFF;
	p2 =	slt.u32 s8, $0xFFFFF086  }
0x1c: {  	p1 =	slt.u32 s9, $0xF7A;
	s5 =	simm.s32 @!p2 $0x0  }
0x1d: {  	s5 =	simm.s32 @p1 $0x1;
	p0 =	seq.s32 s7, s2  }
0x1e: {  	s7 =	smul.u32 @!p0 $0xF7A, s2;
	p2 =	seq.s32 @!p0 s5, $0x0  }
0x1f: {  	s9 =	smul.u32 $0xF7A, s1;
	s8 =	simm.s32 @!p0 $0x1BF5;
	p2 =	por !p2, p0  }
0x20: {  	[sflag:s8] =	ssyncset.s32 @!p0 $0xFFFFF086;
	s6 =	sadd.s32 @!p0 s3, s7;
	s7 =	simm.s32 @!p0 $0x108  }
0x21: {  	s3 =	sadd.s32 s3, s9;
	s6 =	sadd.s32 @!p0 $0x88, s6;
	s7 =	simm.s32 @p2 $0x1082  }
0x22: {  	[simem:s7], [sflag:s8] =	dma.local @!p0 [hbm:s6], $0xF7A  }
0x23: {  	s9 =	sor.u32 $0xD0000000, s2;
	s6 =	simm.s32 $0x108;
	_ =	swait.ge @!p0 [sflag:s8], $0x0  }
0x24: {  	s3 =	sadd.s32 $0x88, s3;
	s6 =	simm.s32 @!p1 $0x1082;
	[sflag:s4] =	ssyncset.s32 $0xFFFFF086  }
0x25: {  	[simem:s6], [sflag:s4] =	dma.local [hbm:s3], $0xF7A  }
0x26: {  	[smem:$0x3F92] =	sst s1;
	(tag) =	ssettag s2;
	_ =	strace s9  }
0x27: {  	s1 =	sld [smem:$0x3FA2]  }
0x28: {  	s2 =	sld [smem:$0x3FA3]  }
0x29: {  	s4 =	sld [smem:$0x3FA5]  }
0x2a: {  	p0 =	seq.s32 s5, $0x0;
	s5 =	sld [smem:$0x3FA6]  }
0x2b: {  	s6 =	sld [smem:$0x3FA7]  }
0x2c: {  	s7 =	sld [smem:$0x3FA8]  }
0x2d: {  	s3 =	simm.s32 $0x108;
	s8 =	sld [smem:$0x3FA9]  }
0x2e: {  	s3 =	simm.s32 @!p0 $0x1082;
	s9 =	sld [smem:$0x3FAA]  }
0x2f: {  	lr =	sadd.s32 s0, s3;
	s0 =	sld [smem:$0x3FA1]  }
0x30: {  	s3 =	sld [smem:$0x3FA4]  }
0x31: {  	[smem:$0x3FAD] =	sst s10  }
0x32: {  	s10 =	sld [smem:$0x3FAB];
	_ =	sdelay $0x3  }
0x33: {  	p0 =	seq.s32 s10, $0x1;
	s10 =	sld [smem:$0x3FAD];
	_ =	sdelay $0x3  }
0x34: {  	[smem:$0x3FAD] =	sst s10  }
0x35: {  	s10 =	sld [smem:$0x3FAC];
	_ =	sdelay $0x3  }
0x36: {  	p1 =	seq.s32 s10, $0x1;
	s10 =	sld [smem:$0x3FAD];
	_ =	sdelay $0x3  }
0x37: {  	[smem:$0x3FAD] =	sst s10  }
0x38: {  	s10 =	sld [smem:$0x3FAE]  }
0x39: {  	_ = 	snop;
	(pc) =	sbr.ind lr, $3  }
0x3a: {  	_ = 	snop  }
0x3b: {  	_ = 	snop  }
0x3c: {  	p2 =	seq.s32 s10, $0x1;
	s10 =	sld [smem:$0x3FAD]  }
0x3d: {  	_ =	shalt  }
0x3e: {  	_ =	shalt  }
0x3f: {  	_ =	shalt  }
0x40: {  	_ =	shalt  }
0x41: {  	_ =	shalt  }
0x42: {  	_ =	shalt  }
0x43: {  	_ =	shalt  }
0x44: {  	_ =	shalt  }
0x45: {  	_ =	shalt  }
0x46: {  	_ =	shalt  }
0x47: {  	_ =	shalt  }
0x48: {  	_ =	shalt  }
0x49: {  	_ =	shalt  }
0x4a: {  	_ =	shalt  }
0x4b: {  	_ =	shalt  }
0x4c: {  	_ =	shalt  }
0x4d: {  	_ =	shalt  }
0x4e: {  	_ =	shalt  }
0x4f: {  	_ =	shalt  }
0x50: {  	_ =	shalt  }
0x51: {  	_ =	shalt  }
0x52: {  	_ =	shalt  }
0x53: {  	_ =	shalt  }
0x54: {  	_ =	shalt  }
0x55: {  	_ =	shalt  }
0x56: {  	_ =	shalt  }
0x57: {  	_ =	shalt  }
0x58: {  	_ =	shalt  }
0x59: {  	_ =	shalt  }
0x5a: {  	_ =	shalt  }
0x5b: {  	_ =	shalt  }
0x5c: {  	_ =	shalt  }
0x5d: {  	_ =	shalt  }
0x5e: {  	_ =	shalt  }
0x5f: {  	_ =	shalt  }
0x60: {  	_ =	shalt  }
0x61: {  	_ =	shalt  }
0x62: {  	_ =	shalt  }
0x63: {  	_ =	shalt  }
0x64: {  	_ =	shalt  }
0x65: {  	_ =	shalt  }
0x66: {  	_ =	shalt  }
0x67: {  	_ =	shalt  }
0x68: {  	_ =	shalt  }
0x69: {  	_ =	shalt  }
0x6a: {  	_ =	shalt  }
0x6b: {  	_ =	shalt  }
0x6c: {  	_ =	shalt  }
0x6d: {  	_ =	shalt  }
0x6e: {  	_ =	shalt  }
0x6f: {  	_ =	shalt  }
0x70: {  	_ =	shalt  }
0x71: {  	_ =	shalt  }
0x72: {  	_ =	shalt  }
0x73: {  	_ =	shalt  }
0x74: {  	_ =	shalt  }
0x75: {  	_ =	shalt  }
0x76: {  	_ =	shalt  }
0x77: {  	_ =	shalt  }
0x78: {  	_ =	shalt  }
0x79: {  	_ =	shalt  }
0x7a: {  	_ =	shalt  }
0x7b: {  	_ =	shalt  }
0x7c: {  	_ =	shalt  }
0x7d: {  	_ =	shalt  }
0x7e: {  	_ =	shalt  }
0x7f: {  	_ =	shalt  }
0x80: {  	_ =	shalt  }
0x81: {  	_ =	shalt  }
0x82: {  	_ =	shalt  }
0x83: {  	_ =	shalt  }
0x84: {  	_ =	shalt  }
0x85: {  	_ =	shalt  }
0x86: {  	_ =	shalt  }
0x87: {  	_ =	shalt  }
.Lfunc_end0:
.L_simem_size_0:
called_computation.2_lowered:
.L_overlay_start_0:
0x88: {  	s2 =	sld [smem:$0x3FD9]  }
0x89: {  	s3 =	sld [smem:$0x3FFE];
	_ =	sdelay $0x1  }
0x8a: {  	s1 =	srdreg.scid  }
0x8b: {  	s0 =	sand.u32 $0x1, s1  }
0x8c: {  	s14 =	sshll.u32 s0, $0xA;
	s2 =	sadd.s32 s3, s2  }
0x8d: {  	s2 =	sadd.s32 s2, s14  }
0x8e: {  	[smem:$0x3FB9] =	sst s2  }
0x8f: {  	_ = 	snop  }
0x90: {  	s2 =	sld [smem:$0x3FD0];
	_ =	sdelay $0x2  }
0x91: {  	s15 =	simm.s32 $0xB;
	s4 =	simm.s32 $0x10  }
0x92: {  	[smem:s4], [sflag:s15] =	dma.local [hbm:s2], $0x1  }
0x93: {  	_ =	swait.eq [sflag:s15], $0x1  }
0x94: {  	[sflag:s15] =	ssyncset.done $0x0  }
0x95: {  	[sflag:s15] =	ssyncadd.s32 $0xFFFFFFFF  }
0x96: {  	s16 =	sld [smem:$0x10];
	(tm) =	ssettm $0x1  }
0x97: {  	s17 =	sld [smem:$0x3FFB];
	_ =	sdelay $0x3  }
0x98: {  	_ =	strace s17  }
0x99: {  	s3 =	sld [smem:$0x3FFC];
	_ =	sdelay $0x3  }
0x9a: {  	_ =	strace s3  }
0x9b: {  	s3 =	sld [smem:$0x3FFD];
	_ =	sdelay $0x3  }
0x9c: {  	_ =	strace s3  }
0x9d: {  	_ =	strace $0x8FFFFFFF  }
0x9e: {  	s18 =	sld [smem:$0x3FDB];
	_ =	sdelay $0x1  }
0x9f: {  	s19 =	simm.s32 $_scs_section_size  }
0xa0: {  	s5 =	simm.s32 $_size__tile_overlayer_lowered;
	s6 =	simm.s32 $_tile_overlayer_lowered  }
0xa1: {  	s22 =	simm.s32 $0x1BFF;
	s21 =	sshll.u32 s6, $0x1;
	s3 =	sadd.s32 s19, s18  }
0xa2: {  	s7 =	simm.s32 $0x0;
	s20 =	sshll.u32 s5, $0x1;
	s5 =	sadd.s32 s21, s3  }
0xa3: {  	[timem:s7], [sflag:s22] =	dma.local [hbm:s5], s20  }
0xa4: {  	_ =	swait.ge [sflag:s22], s20  }
0xa5: {  	s4 =	ssub.s32 $0x0, s20;
	[sflag:s22] =	ssyncset.done $0x0  }
0xa6: {  	[sflag:s22] =	ssyncadd.s32 s4;
	_ =	sdelay $0x1  }
0xa7: {  	s23 =	simm.s32 $0x1B8B  }
0xa8: {  	_ =	swait.ge [sflag:s23], $0x1  }
0xa9: {  	[sflag:s23] =	ssyncset.done $0x0  }
0xaa: {  	s25 =	simm.s32 $0x1B8E;
	s24 =	sld [smem:$0x3FFE];
	[sflag:s23] =	ssyncadd.s32 $0xFFFFFFFF  }
0xab: {  	s26 =	simm.s32 $execute0_lowered;
	[smem:$0x3FD2] =	sst s25  }
0xac: {  	s5 =	sshll.u32 s26, $0x1;
	_ =	strace $0x8000004C;
	[dreg:$0x1] =	wrdreg $0xFFFFFFFF  }
0xad: {  	s28 =	simm.s32 $_size_execute0_lowered;
	s3 =	sadd.s32 s3, s5;
	[dreg:$0x0] =	wrdreg $0x0  }
0xae: {  	s5 =	sshll.u32 s28, $0x1;
	[dreg:$0x2] =	wrdreg s3  }
0xaf: {  	[dreg:$0x3] =	wrdreg s5  }
0xb0: {  	[dreg:$0x4] =	wrdreg $0xC0  }
0xb1: {  	_ =	task [dreg:s7], $0x5FFFF  }
0xb2: {  	[dreg:$0x1] =	wrdreg $0xFFFFFFFF  }
0xb3: {  	[dreg:$0x0] =	wrdreg $0x60  }
0xb4: {  	[dreg:$0x2] =	wrdreg s24  }
0xb5: {  	[dreg:$0x3] =	wrdreg s16  }
0xb6: {  	[dreg:$0x4] =	wrdreg $0x100000  }
0xb7: {  	[dreg:$0x5] =	wrdreg $0x9  }
0xb8: {  	_ =	task.clear_ibuf [dreg:s7], $0x6FFFF;
	_ =	strace $0x9000004C  }
0xb9: {  	s29 =	simm.s32 $0x9;
	_ =	strace $0x8000004E  }
0xba: {  	_ =	swait.ge [sflag:s29], $0x1  }
0xbb: {  	[sflag:s29] =	ssyncadd.s32 $0xFFFFFFFF  }
0xbc: {  	_ =	strace $0x9000004E  }
0xbd: {  	_ =	sfence  }
0xbe: {  	s30 =	sld [smem:$0x0];
	_ =	sdelay $0x2  }
0xbf: {  	s31 =	sshll.u32 s1, $0xD;
	s1 =	sshrl.u32 s1, $0x2  }
0xc0: {  	s3 =	sand.u32 $0x4000, s31;
	s1 =	sadd.s32 s1, s30  }
0xc1: {  	s0 =	sor.u32 s3, s0;
	s1 =	sshll.u32 s1, $0x11  }
0xc2: {  	s0 =	sor.u32 s1, s0  }
0xc3: {  	s0 =	sadd.s32 $0x8F2B, s0  }
0xc4: {  	[sflag:s0] =	ssyncadd.remote.s32 $0x1  }
0xc5: {  	_ =	sfence.sel $0xFFFF  }
0xc6: {  	[dreg:$0x0] =	wrdreg $0xFFFFFFFF;
	(pc) =	sbr.abs _section_cstart, $3  }
0xc7: {  	[dreg:$0x1] =	wrdreg $0xFFFFFFFF  }
0xc8: {  	_ =	task.clear_ibuf [dreg:s7], $0x2FFFF;
	_ =	strace $0x9FFFFFFF  }
0xc9: {  	(tm) =	ssettm $0x7FFFFFFF  }
tec
execute0_lowered:
.L_overlay_start_1:
0x0: {  	(tag) =	ssettag $0x1  }
0x1: {  	s6 =	rddreg [dreg:$0x0]  }
0x2: {  	s2 =	rddreg [dreg:$0x1]  }
0x3: {  	s3 =	rddreg [dreg:$0x2];
	s4 =	srdreg.scid  }
0x4: {  	s1 =	stileid.u32;
	s0 =	rddreg [dreg:$0x3];
	s13 =	simm.s32 $0x7800  }
0x5: {  	s14 =	simm.s32 $0x80;
	s15 =	simm.s32 $0xF000;
	s16 =	simm.s32 $0x1  }
0x6: {  	s17 =	simm.s32 $0x0;
	s7 =	sand.u32 $0x1, s4;
	s8 =	smul.u32 $0xEB00, s1  }
0x7: {  	s4 =	simm.s32 $0x0;
	s31 =	sshll.u32 s1, $0x6;
	s5 =	sshll.u32 s7, $0x4  }
0x8: {  	s9 =	smul.u32 $0xEB000, s7;
	[smem:$0x7FF] =	sst s4;
	s7 =	ssub.s32 $0x2, s7  }
0x9: {  	s5 =	sor.u32 s1, s5;
	_ =	strace $0x8000004D;
	s30 =	sshrl.u32 s7, $0x1  }
0xa: {  	s12 =	sadd.s32 s8, s3;
	s10 =	smul.u32 $0xF00, s5;
	s9 =	sadd.s32 s8, s9  }
0xb: {  	s5 =	sadd.s32 $0x3000, s6;
	s11 =	ssub.s32 s7, s30;
	s9 =	sshrl.u32 s9, $0x3  }
0xc: {  	s10 =	sadd.s32 s10, s6;
	s9 =	sadd.s32 s9, s6;
	s6 =	sor.u32 $0x1C02, s31  }
0xd: {  	s7 =	sadd.s32 $0xB3A00, s10;
	s8 =	sadd.s32 $0x95A00, s10;
	s9 =	sadd.s32 $0x20600, s9  }
0xe: {  	s10 =	smax.u32 s11, $0x1;
	s11 =	sshrl.u32 s12, $0x3;
	s12 =	simm.s32 $0x2  }
.LBB2_1:
0xf: {  	[spmem:s11], [sflag:s6] =	dma.local [hbm:s2], $0x1D60  }
0x10: {  	_ =	swait.ge [sflag:s12], $0x1D60  }
0x11: {  	[sflag:s12] =	ssyncset.done $0x0  }
0x12: {  	[sflag:s12] =	ssyncadd.s32 $0xFFFFE2A0  }
0x13: {  	[tilespmem:s4], [sflag:$0x2] =	stream.linear.gather [hbm4b:s7+s4], $0x7800, $0x38;
	[tilespmem:$0x1EB00] =	vst v63  }
0x14: {  	_ =	swait.ge [sflag:s12], $0x7800  }
0x15: {  	[sflag:s12] =	ssyncset.done $0x0  }
0x16: {  	[sflag:s12] =	ssyncadd.s32 $0xFFFF8800  }
0x17: {  	[tilespmem:s13], [sflag:$0x2] =	stream.linear.gather [hbm4b:s8+s4], $0x7800, $0x38;
	[tilespmem:$0x1EB00] =	vst v63  }
0x18: {  	_ =	swait.ge [sflag:s12], $0x7800  }
0x19: {  	[sflag:s12] =	ssyncset.done $0x0  }
0x1a: {  	[sflag:s12] =	ssyncadd.s32 $0xFFFF8800  }
0x1b: {  	s18 =	simm.s32 $0x0;
	[bflag:$0x0] =	sbarrier.arrive $0xFFFF  }
0x1c: {  	[tilespmem:s15], [sflag:$0x1] =	stream.indirect.gather [hbm4b:s5+s14], $0x20, s18, s14, $0xb8;
	[tilespmem:$0x1EB00] =	vst v63  }
0x1d: {  	_ =	swait.ge [sflag:s16], $0x1000  }
0x1e: {  	[sflag:s16] =	ssyncset.done $0x0  }
0x1f: {  	s31 =	simm.s32 $0x7800;
	[sflag:s16] =	ssyncadd.s32 $0xFFFFF000  }
0x20: {  	[spmem:s3] =	stream.indirect.scatter.add.f32 [tilespmem:s15], [sflag:$0x2], $0x20, s31, s14, $0xb8;
	[tilespmem:$0x1EB00] =	vst v63  }
0x21: {  	_ =	swait.ge [sflag:s12], $0x1000  }
0x22: {  	s19 =	simm.s32 $0x400;
	s18 =	simm.s32 $0x200;
	[sflag:s12] =	ssyncset.done $0x0  }
.LBB2_2:
0x23: {  	s20 =	sshra.s32 s18, $0x2  }
0x24: {  	[sflag:s12] =	ssyncadd.s32 $0xFFFFF000;
	s18 =	smov.u32 s19;
	s21 =	sadd.s32 $0x200, s19  }
0x25: {  	[tilespmem:s15], [sflag:$0x1] =	stream.indirect.gather [hbm4b:s5+s14], $0x20, s20, s14, $0xb8;
	[tilespmem:$0x1EB00] =	vst v63  }
0x26: {  	p0 =	sne.s32 s19, $0x1DE00;
	_ =	swait.ge [sflag:s16], $0x1000  }
.Ltmp0:
0x27: {  	[sflag:s16] =	ssyncset.done $0x0;
	(pc) =	sbr.rel @p0 .LBB2_2-.Ltmp0, $4  }
0x28: {  	s19 =	sadd.s32 $0x7800, s20;
	[sflag:s16] =	ssyncadd.s32 $0xFFFFF000  }
0x29: {  	[spmem:s3] =	stream.indirect.scatter.add.f32 [tilespmem:s15], [sflag:$0x2], $0x20, s19, s14, $0xb8;
	[tilespmem:$0x1EB00] =	vst v63  }
0x2a: {  	_ =	swait.ge [sflag:s12], $0x1000  }
0x2b: {  	s19 =	smov.u32 s21;
	[sflag:s12] =	ssyncset.done $0x0  }
0x2c: {  	s18 =	sshra.s32 s18, $0x2;
	[sflag:s12] =	ssyncadd.s32 $0xFFFFF000  }
0x2d: {  	[tilespmem:s15], [sflag:$0x1] =	stream.indirect.gather [hbm4b:s5+s14], $0x20, s18, s14, $0xb8;
	[tilespmem:$0x1EB00] =	vst v63  }
0x2e: {  	_ =	swait.ge [sflag:s16], $0x1000  }
0x2f: {  	[sflag:s16] =	ssyncset.done $0x0  }
0x30: {  	s18 =	sadd.s32 $0x7800, s18;
	[sflag:s16] =	ssyncadd.s32 $0xFFFFF000  }
0x31: {  	[spmem:s3] =	stream.indirect.scatter.add.f32 [tilespmem:s15], [sflag:$0x2], $0x20, s18, s14, $0xb8;
	[tilespmem:$0x1EB00] =	vst v63  }
0x32: {  	_ =	swait.ge [sflag:s12], $0x1000  }
0x33: {  	s17 =	sadd.s32 $0x1, s17;
	[sflag:s12] =	ssyncset.done $0x0  }
0x34: {  	p0 =	sne.s32 s17, s10;
	[sflag:s12] =	ssyncadd.s32 $0xFFFFF000  }
.Ltmp1:
0x35: {  	[bflag:$0x0] =	sbarrier.arrive $0xFFFF;
	(pc) =	sbr.rel @p0 .LBB2_1-.Ltmp1, $4  }
0x36: {  	[hbm:s9], [sflag:s6] =	dma.local [spmem:s11], $0x1D60  }
0x37: {  	_ =	swait.ge [sflag:s12], $0x1D60  }
0x38: {  	[sflag:s12] =	ssyncset.done $0x0  }
0x39: {  	[sflag:s12] =	ssyncadd.s32 $0xFFFFE2A0  }
0x3a: {  	_ =	sfence.sel $0x180000  }
0x3b: {  	[bflag:$0x0] =	sbarrier.arrive $0xFFFF  }
0x3c: {  	p0 =	sne.s32 s1, $0x0;
	_ =	strace $0x9000004D  }
0x3d: {  	s0 =	sadd.s32 @!p0 $0x100000, s0;
	[bflag:$0x2] =	sbarrier.arrive $0xFFFF  }
0x3e: {  	[sflag:s0] =	ssyncadd.tile.s32 @!p0 $0x1;
	_ =	shalt  }
.Lfunc_end2:
_tile_overlayer_lowered:
.L_overlay_start_2:
0x3f: {  	(tag) =	ssettag $0x2  }
0x40: {  	s0 =	rddreg [dreg:$0x0];
	s2 =	stileid.u32  }
0x41: {  	s1 =	rddreg [dreg:$0x1];
	p0 =	sne.s32 s2, $0x0  }
0x42: {  	s3 =	rddreg [dreg:$0x2];
	[bflag:$0x3] =	sbarrier.arrive $0xFFFF;
	s2 =	simm.s32 @!p0 $0x1C02  }
0x43: {  	[timem:s3], [sflag:s2] =	dma.local @!p0 [hbm:s0], s1  }
0x44: {  	s0 =	simm.s32 @!p0 $0x2  }
0x45: {  	_ =	swait.ge @!p0 [sflag:s0], s1  }
0x46: {  	s1 =	ssub.s32 @!p0 $0x0, s1;
	[sflag:s0] =	ssyncset.done @!p0 $0x0  }
0x47: {  	[sflag:s0] =	ssyncadd.s32 @!p0 s1  }
0x48: {  	[bflag:$0x3] =	sbarrier.arrive $0xFFFF  }
0x49: {  	_ =	shalt  }

// kernel: kernel.9.cloned.1.call-start
scs
__scs_entry_jumppad:
0x0: {  	(pc) =	sbr.rel $0x88, $3  }
0x1: {  	(tag) =	ssettag $0x0;
	lr =	simm.s32 $0x1  }
0x2: {  	[smem:$0x3F92] =	sst lr;
	_ =	strace $0xD0000000  }
0x3: {  	_ = 	snop  }
0x4: {  	_ = 	snop  }
0x5: {  	_ = 	snop  }
0x6: {  	_ = 	snop  }
0x7: {  	_ = 	snop  }
__scs_overlays_trampoline_lowered:
0x8: {  	[smem:$0x3FA1] =	sst s0  }
0x9: {  	[smem:$0x3FA2] =	sst s1  }
0xa: {  	[smem:$0x3FA3] =	sst s2  }
0xb: {  	[smem:$0x3FA4] =	sst s3  }
0xc: {  	[smem:$0x3FA5] =	sst s4  }
0xd: {  	[smem:$0x3FA6] =	sst s5  }
0xe: {  	[smem:$0x3FA7] =	sst s6  }
0xf: {  	[smem:$0x3FA8] =	sst s7  }
0x10: {  	[smem:$0x3FA9] =	sst s8  }
0x11: {  	[smem:$0x3FAA] =	sst s9;
	s0 =	simm.s32 @!p0 $0x0  }
0x12: {  	s1 =	sld [smem:$0x3F90];
	s0 =	simm.s32 @p0 $0x1  }
0x13: {  	[smem:$0x3FAB] =	sst s0;
	s0 =	simm.s32 @!p1 $0x0  }
0x14: {  	s2 =	sld [smem:$0x3F8F];
	s0 =	simm.s32 @p1 $0x1  }
0x15: {  	[smem:$0x3FAC] =	sst s0;
	s0 =	simm.s32 @!p2 $0x0  }
0x16: {  	s3 =	sld [smem:$0x3FDB];
	s0 =	simm.s32 @p2 $0x1  }
0x17: {  	s4 =	simm.s32 $0x1BF5;
	[smem:$0x3FAE] =	sst s0  }
0x18: {  	s0 =	sld [smem:$0x3F91];
	_ =	swait.ge [sflag:s4], $0x0  }
0x19: {  	s7 =	sld [smem:$0x3F92]  }
0x1a: {  	s8 =	sadd.s32 $0xFFFFE003, lr  }
0x1b: {  	s9 =	sadd.s32 $0xFFFFFEF7, lr;
	s5 =	simm.s32 $0xFFFFFFFF;
	p2 =	slt.u32 s8, $0xFFFFF086  }
0x1c: {  	p1 =	slt.u32 s9, $0xF7A;
	s5 =	simm.s32 @!p2 $0x0  }
0x1d: {  	s5 =	simm.s32 @p1 $0x1;
	p0 =	seq.s32 s7, s2  }
0x1e: {  	s7 =	smul.u32 @!p0 $0xF7A, s2;
	p2 =	seq.s32 @!p0 s5, $0x0  }
0x1f: {  	s9 =	smul.u32 $0xF7A, s1;
	s8 =	simm.s32 @!p0 $0x1BF5;
	p2 =	por !p2, p0  }
0x20: {  	[sflag:s8] =	ssyncset.s32 @!p0 $0xFFFFF086;
	s6 =	sadd.s32 @!p0 s3, s7;
	s7 =	simm.s32 @!p0 $0x108  }
0x21: {  	s3 =	sadd.s32 s3, s9;
	s6 =	sadd.s32 @!p0 $0x88, s6;
	s7 =	simm.s32 @p2 $0x1082  }
0x22: {  	[simem:s7], [sflag:s8] =	dma.local @!p0 [hbm:s6], $0xF7A  }
0x23: {  	s9 =	sor.u32 $0xD0000000, s2;
	s6 =	simm.s32 $0x108;
	_ =	swait.ge @!p0 [sflag:s8], $0x0  }
0x24: {  	s3 =	sadd.s32 $0x88, s3;
	s6 =	simm.s32 @!p1 $0x1082;
	[sflag:s4] =	ssyncset.s32 $0xFFFFF086  }
0x25: {  	[simem:s6], [sflag:s4] =	dma.local [hbm:s3], $0xF7A  }
0x26: {  	[smem:$0x3F92] =	sst s1;
	(tag) =	ssettag s2;
	_ =	strace s9  }
0x27: {  	s1 =	sld [smem:$0x3FA2]  }
0x28: {  	s2 =	sld [smem:$0x3FA3]  }
0x29: {  	s4 =	sld [smem:$0x3FA5]  }
0x2a: {  	p0 =	seq.s32 s5, $0x0;
	s5 =	sld [smem:$0x3FA6]  }
0x2b: {  	s6 =	sld [smem:$0x3FA7]  }
0x2c: {  	s7 =	sld [smem:$0x3FA8]  }
0x2d: {  	s3 =	simm.s32 $0x108;
	s8 =	sld [smem:$0x3FA9]  }
0x2e: {  	s3 =	simm.s32 @!p0 $0x1082;
	s9 =	sld [smem:$0x3FAA]  }
0x2f: {  	lr =	sadd.s32 s0, s3;
	s0 =	sld [smem:$0x3FA1]  }
0x30: {  	s3 =	sld [smem:$0x3FA4]  }
0x31: {  	[smem:$0x3FAD] =	sst s10  }
0x32: {  	s10 =	sld [smem:$0x3FAB];
	_ =	sdelay $0x3  }
0x33: {  	p0 =	seq.s32 s10, $0x1;
	s10 =	sld [smem:$0x3FAD];
	_ =	sdelay $0x3  }
0x34: {  	[smem:$0x3FAD] =	sst s10  }
0x35: {  	s10 =	sld [smem:$0x3FAC];
	_ =	sdelay $0x3  }
0x36: {  	p1 =	seq.s32 s10, $0x1;
	s10 =	sld [smem:$0x3FAD];
	_ =	sdelay $0x3  }
0x37: {  	[smem:$0x3FAD] =	sst s10  }
0x38: {  	s10 =	sld [smem:$0x3FAE]  }
0x39: {  	_ = 	snop;
	(pc) =	sbr.ind lr, $3  }
0x3a: {  	_ = 	snop  }
0x3b: {  	_ = 	snop  }
0x3c: {  	p2 =	seq.s32 s10, $0x1;
	s10 =	sld [smem:$0x3FAD]  }
0x3d: {  	_ =	shalt  }
0x3e: {  	_ =	shalt  }
0x3f: {  	_ =	shalt  }
0x40: {  	_ =	shalt  }
0x41: {  	_ =	shalt  }
0x42: {  	_ =	shalt  }
0x43: {  	_ =	shalt  }
0x44: {  	_ =	shalt  }
0x45: {  	_ =	shalt  }
0x46: {  	_ =	shalt  }
0x47: {  	_ =	shalt  }
0x48: {  	_ =	shalt  }
0x49: {  	_ =	shalt  }
0x4a: {  	_ =	shalt  }
0x4b: {  	_ =	shalt  }
0x4c: {  	_ =	shalt  }
0x4d: {  	_ =	shalt  }
0x4e: {  	_ =	shalt  }
0x4f: {  	_ =	shalt  }
0x50: {  	_ =	shalt  }
0x51: {  	_ =	shalt  }
0x52: {  	_ =	shalt  }
0x53: {  	_ =	shalt  }
0x54: {  	_ =	shalt  }
0x55: {  	_ =	shalt  }
0x56: {  	_ =	shalt  }
0x57: {  	_ =	shalt  }
0x58: {  	_ =	shalt  }
0x59: {  	_ =	shalt  }
0x5a: {  	_ =	shalt  }
0x5b: {  	_ =	shalt  }
0x5c: {  	_ =	shalt  }
0x5d: {  	_ =	shalt  }
0x5e: {  	_ =	shalt  }
0x5f: {  	_ =	shalt  }
0x60: {  	_ =	shalt  }
0x61: {  	_ =	shalt  }
0x62: {  	_ =	shalt  }
0x63: {  	_ =	shalt  }
0x64: {  	_ =	shalt  }
0x65: {  	_ =	shalt  }
0x66: {  	_ =	shalt  }
0x67: {  	_ =	shalt  }
0x68: {  	_ =	shalt  }
0x69: {  	_ =	shalt  }
0x6a: {  	_ =	shalt  }
0x6b: {  	_ =	shalt  }
0x6c: {  	_ =	shalt  }
0x6d: {  	_ =	shalt  }
0x6e: {  	_ =	shalt  }
0x6f: {  	_ =	shalt  }
0x70: {  	_ =	shalt  }
0x71: {  	_ =	shalt  }
0x72: {  	_ =	shalt  }
0x73: {  	_ =	shalt  }
0x74: {  	_ =	shalt  }
0x75: {  	_ =	shalt  }
0x76: {  	_ =	shalt  }
0x77: {  	_ =	shalt  }
0x78: {  	_ =	shalt  }
0x79: {  	_ =	shalt  }
0x7a: {  	_ =	shalt  }
0x7b: {  	_ =	shalt  }
0x7c: {  	_ =	shalt  }
0x7d: {  	_ =	shalt  }
0x7e: {  	_ =	shalt  }
0x7f: {  	_ =	shalt  }
0x80: {  	_ =	shalt  }
0x81: {  	_ =	shalt  }
0x82: {  	_ =	shalt  }
0x83: {  	_ =	shalt  }
0x84: {  	_ =	shalt  }
0x85: {  	_ =	shalt  }
0x86: {  	_ =	shalt  }
0x87: {  	_ =	shalt  }
.Lfunc_end0:
.L_simem_size_0:
called_computation_lowered:
.L_overlay_start_0:
0x88: {  	s2 =	sld [smem:$0x3FD9]  }
0x89: {  	s3 =	sld [smem:$0x3FFE];
	_ =	sdelay $0x1  }
0x8a: {  	s1 =	srdreg.scid  }
0x8b: {  	s0 =	sand.u32 $0x1, s1  }
0x8c: {  	s14 =	sshll.u32 s0, $0xA;
	s2 =	sadd.s32 s3, s2  }
0x8d: {  	s2 =	sadd.s32 s2, s14  }
0x8e: {  	[smem:$0x3FB9] =	sst s2  }
0x8f: {  	_ = 	snop  }
0x90: {  	s2 =	sld [smem:$0x3FD0];
	_ =	sdelay $0x2  }
0x91: {  	s15 =	simm.s32 $0xB;
	s4 =	simm.s32 $0x10  }
0x92: {  	[smem:s4], [sflag:s15] =	dma.local [hbm:s2], $0x1  }
0x93: {  	_ =	swait.eq [sflag:s15], $0x1  }
0x94: {  	[sflag:s15] =	ssyncset.done $0x0  }
0x95: {  	[sflag:s15] =	ssyncadd.s32 $0xFFFFFFFF  }
0x96: {  	s16 =	sld [smem:$0x10];
	(tm) =	ssettm $0x1  }
0x97: {  	s17 =	sld [smem:$0x3FFB];
	_ =	sdelay $0x3  }
0x98: {  	_ =	strace s17  }
0x99: {  	s3 =	sld [smem:$0x3FFC];
	_ =	sdelay $0x3  }
0x9a: {  	_ =	strace s3  }
0x9b: {  	s3 =	sld [smem:$0x3FFD];
	_ =	sdelay $0x3  }
0x9c: {  	_ =	strace s3  }
0x9d: {  	_ =	strace $0x8FFFFFFF  }
0x9e: {  	s18 =	sld [smem:$0x3FDB];
	_ =	sdelay $0x1  }
0x9f: {  	s19 =	simm.s32 $_scs_section_size  }
0xa0: {  	s5 =	simm.s32 $_size__tile_overlayer_lowered;
	s6 =	simm.s32 $_tile_overlayer_lowered  }
0xa1: {  	s22 =	simm.s32 $0x1BFF;
	s21 =	sshll.u32 s6, $0x1;
	s3 =	sadd.s32 s19, s18  }
0xa2: {  	s7 =	simm.s32 $0x0;
	s20 =	sshll.u32 s5, $0x1;
	s5 =	sadd.s32 s21, s3  }
0xa3: {  	[timem:s7], [sflag:s22] =	dma.local [hbm:s5], s20  }
0xa4: {  	_ =	swait.ge [sflag:s22], s20  }
0xa5: {  	s4 =	ssub.s32 $0x0, s20;
	[sflag:s22] =	ssyncset.done $0x0  }
0xa6: {  	[sflag:s22] =	ssyncadd.s32 s4;
	_ =	sdelay $0x1  }
0xa7: {  	s23 =	simm.s32 $0x1B8B  }
0xa8: {  	_ =	swait.ge [sflag:s23], $0x1  }
0xa9: {  	[sflag:s23] =	ssyncset.done $0x0  }
0xaa: {  	s25 =	simm.s32 $0x1B8E;
	s24 =	sld [smem:$0x3FFE];
	[sflag:s23] =	ssyncadd.s32 $0xFFFFFFFF  }
0xab: {  	s26 =	simm.s32 $execute0_lowered;
	[smem:$0x3FD2] =	sst s25  }
0xac: {  	s5 =	sshll.u32 s26, $0x1;
	_ =	strace $0x80000046;
	[dreg:$0x1] =	wrdreg $0xFFFFFFFF  }
0xad: {  	s28 =	simm.s32 $_size_execute0_lowered;
	s3 =	sadd.s32 s3, s5;
	[dreg:$0x0] =	wrdreg $0x0  }
0xae: {  	s5 =	sshll.u32 s28, $0x1;
	[dreg:$0x2] =	wrdreg s3  }
0xaf: {  	[dreg:$0x3] =	wrdreg s5  }
0xb0: {  	[dreg:$0x4] =	wrdreg $0xC0  }
0xb1: {  	_ =	task [dreg:s7], $0x5FFFF  }
0xb2: {  	[dreg:$0x1] =	wrdreg $0xFFFFFFFF  }
0xb3: {  	[dreg:$0x0] =	wrdreg $0x60  }
0xb4: {  	[dreg:$0x2] =	wrdreg s24  }
0xb5: {  	[dreg:$0x3] =	wrdreg s16  }
0xb6: {  	[dreg:$0x4] =	wrdreg $0x100000  }
0xb7: {  	[dreg:$0x5] =	wrdreg $0x9  }
0xb8: {  	_ =	task.clear_ibuf [dreg:s7], $0x6FFFF;
	_ =	strace $0x90000046  }
0xb9: {  	s29 =	simm.s32 $0x9;
	_ =	strace $0x80000048  }
0xba: {  	_ =	swait.ge [sflag:s29], $0x1  }
0xbb: {  	[sflag:s29] =	ssyncadd.s32 $0xFFFFFFFF  }
0xbc: {  	_ =	strace $0x90000048  }
0xbd: {  	_ =	sfence  }
0xbe: {  	s30 =	sld [smem:$0x0];
	_ =	sdelay $0x2  }
0xbf: {  	s31 =	sshll.u32 s1, $0xD;
	s1 =	sshrl.u32 s1, $0x2  }
0xc0: {  	s3 =	sand.u32 $0x4000, s31;
	s1 =	sadd.s32 s1, s30  }
0xc1: {  	s0 =	sor.u32 s3, s0;
	s1 =	sshll.u32 s1, $0x11  }
0xc2: {  	s0 =	sor.u32 s1, s0  }
0xc3: {  	s0 =	sadd.s32 $0x8F2B, s0  }
0xc4: {  	[sflag:s0] =	ssyncadd.remote.s32 $0x1  }
0xc5: {  	_ =	sfence.sel $0xFFFF  }
0xc6: {  	[dreg:$0x0] =	wrdreg $0xFFFFFFFF;
	(pc) =	sbr.abs _section_cstart, $3  }
0xc7: {  	[dreg:$0x1] =	wrdreg $0xFFFFFFFF  }
0xc8: {  	_ =	task.clear_ibuf [dreg:s7], $0x2FFFF;
	_ =	strace $0x9FFFFFFF  }
0xc9: {  	(tm) =	ssettm $0x7FFFFFFF  }
tec
execute0_lowered:
.L_overlay_start_1:
0x0: {  	(tag) =	ssettag $0x1  }
0x1: {  	s6 =	rddreg [dreg:$0x0]  }
0x2: {  	s2 =	rddreg [dreg:$0x1]  }
0x3: {  	s3 =	rddreg [dreg:$0x2];
	s4 =	srdreg.scid  }
0x4: {  	s1 =	stileid.u32;
	s0 =	rddreg [dreg:$0x3];
	s13 =	simm.s32 $0x7800  }
0x5: {  	s14 =	simm.s32 $0x80;
	s15 =	simm.s32 $0xF000;
	s16 =	simm.s32 $0x1  }
0x6: {  	s17 =	simm.s32 $0x0;
	s7 =	sand.u32 $0x1, s4;
	s8 =	smul.u32 $0xEB00, s1  }
0x7: {  	s4 =	simm.s32 $0x0;
	s31 =	sshll.u32 s1, $0x6;
	s5 =	sshll.u32 s7, $0x4  }
0x8: {  	s9 =	smul.u32 $0xEB000, s7;
	[smem:$0x7FF] =	sst s4;
	s7 =	ssub.s32 $0x2, s7  }
0x9: {  	s5 =	sor.u32 s1, s5;
	_ =	strace $0x80000047;
	s30 =	sshrl.u32 s7, $0x1  }
0xa: {  	s12 =	sadd.s32 s8, s3;
	s10 =	smul.u32 $0xF00, s5;
	s9 =	sadd.s32 s8, s9  }
0xb: {  	s5 =	sadd.s32 $0x78400, s6;
	s11 =	ssub.s32 s7, s30;
	s9 =	sshrl.u32 s9, $0x3  }
0xc: {  	s10 =	sadd.s32 s10, s6;
	s9 =	sadd.s32 s9, s6;
	s6 =	sor.u32 $0x1C02, s31  }
0xd: {  	s7 =	sadd.s32 $0xB3A00, s10;
	s8 =	sadd.s32 $0x95A00, s10;
	s9 =	sadd.s32 $0xD1A00, s9  }
0xe: {  	s10 =	smax.u32 s11, $0x1;
	s11 =	sshrl.u32 s12, $0x3;
	s12 =	simm.s32 $0x2  }
.LBB2_1:
0xf: {  	[spmem:s11], [sflag:s6] =	dma.local [hbm:s2], $0x1D60  }
0x10: {  	_ =	swait.ge [sflag:s12], $0x1D60  }
0x11: {  	[sflag:s12] =	ssyncset.done $0x0  }
0x12: {  	[sflag:s12] =	ssyncadd.s32 $0xFFFFE2A0  }
0x13: {  	[tilespmem:s4], [sflag:$0x2] =	stream.linear.gather [hbm4b:s7+s4], $0x7800, $0x38;
	[tilespmem:$0x1EB00] =	vst v63  }
0x14: {  	_ =	swait.ge [sflag:s12], $0x7800  }
0x15: {  	[sflag:s12] =	ssyncset.done $0x0  }
0x16: {  	[sflag:s12] =	ssyncadd.s32 $0xFFFF8800  }
0x17: {  	[tilespmem:s13], [sflag:$0x2] =	stream.linear.gather [hbm4b:s8+s4], $0x7800, $0x38;
	[tilespmem:$0x1EB00] =	vst v63  }
0x18: {  	_ =	swait.ge [sflag:s12], $0x7800  }
0x19: {  	[sflag:s12] =	ssyncset.done $0x0  }
0x1a: {  	[sflag:s12] =	ssyncadd.s32 $0xFFFF8800  }
0x1b: {  	s18 =	simm.s32 $0x0;
	[bflag:$0x0] =	sbarrier.arrive $0xFFFF  }
0x1c: {  	[tilespmem:s15], [sflag:$0x1] =	stream.indirect.gather [hbm4b:s5+s14], $0x20, s18, s14, $0xb8;
	[tilespmem:$0x1EB00] =	vst v63  }
0x1d: {  	_ =	swait.ge [sflag:s16], $0x1000  }
0x1e: {  	[sflag:s16] =	ssyncset.done $0x0  }
0x1f: {  	s31 =	simm.s32 $0x7800;
	[sflag:s16] =	ssyncadd.s32 $0xFFFFF000  }
0x20: {  	[spmem:s3] =	stream.indirect.scatter.add.f32 [tilespmem:s15], [sflag:$0x2], $0x20, s31, s14, $0xb8;
	[tilespmem:$0x1EB00] =	vst v63  }
0x21: {  	_ =	swait.ge [sflag:s12], $0x1000  }
0x22: {  	s19 =	simm.s32 $0x400;
	s18 =	simm.s32 $0x200;
	[sflag:s12] =	ssyncset.done $0x0  }
.LBB2_2:
0x23: {  	s20 =	sshra.s32 s18, $0x2  }
0x24: {  	[sflag:s12] =	ssyncadd.s32 $0xFFFFF000;
	s18 =	smov.u32 s19;
	s21 =	sadd.s32 $0x200, s19  }
0x25: {  	[tilespmem:s15], [sflag:$0x1] =	stream.indirect.gather [hbm4b:s5+s14], $0x20, s20, s14, $0xb8;
	[tilespmem:$0x1EB00] =	vst v63  }
0x26: {  	p0 =	sne.s32 s19, $0x1DE00;
	_ =	swait.ge [sflag:s16], $0x1000  }
.Ltmp0:
0x27: {  	[sflag:s16] =	ssyncset.done $0x0;
	(pc) =	sbr.rel @p0 .LBB2_2-.Ltmp0, $4  }
0x28: {  	s19 =	sadd.s32 $0x7800, s20;
	[sflag:s16] =	ssyncadd.s32 $0xFFFFF000  }
0x29: {  	[spmem:s3] =	stream.indirect.scatter.add.f32 [tilespmem:s15], [sflag:$0x2], $0x20, s19, s14, $0xb8;
	[tilespmem:$0x1EB00] =	vst v63  }
0x2a: {  	_ =	swait.ge [sflag:s12], $0x1000  }
0x2b: {  	s19 =	smov.u32 s21;
	[sflag:s12] =	ssyncset.done $0x0  }
0x2c: {  	s18 =	sshra.s32 s18, $0x2;
	[sflag:s12] =	ssyncadd.s32 $0xFFFFF000  }
0x2d: {  	[tilespmem:s15], [sflag:$0x1] =	stream.indirect.gather [hbm4b:s5+s14], $0x20, s18, s14, $0xb8;
	[tilespmem:$0x1EB00] =	vst v63  }
0x2e: {  	_ =	swait.ge [sflag:s16], $0x1000  }
0x2f: {  	[sflag:s16] =	ssyncset.done $0x0  }
0x30: {  	s18 =	sadd.s32 $0x7800, s18;
	[sflag:s16] =	ssyncadd.s32 $0xFFFFF000  }
0x31: {  	[spmem:s3] =	stream.indirect.scatter.add.f32 [tilespmem:s15], [sflag:$0x2], $0x20, s18, s14, $0xb8;
	[tilespmem:$0x1EB00] =	vst v63  }
0x32: {  	_ =	swait.ge [sflag:s12], $0x1000  }
0x33: {  	s17 =	sadd.s32 $0x1, s17;
	[sflag:s12] =	ssyncset.done $0x0  }
0x34: {  	p0 =	sne.s32 s17, s10;
	[sflag:s12] =	ssyncadd.s32 $0xFFFFF000  }
.Ltmp1:
0x35: {  	[bflag:$0x0] =	sbarrier.arrive $0xFFFF;
	(pc) =	sbr.rel @p0 .LBB2_1-.Ltmp1, $4  }
0x36: {  	[hbm:s9], [sflag:s6] =	dma.local [spmem:s11], $0x1D60  }
0x37: {  	_ =	swait.ge [sflag:s12], $0x1D60  }
0x38: {  	[sflag:s12] =	ssyncset.done $0x0  }
0x39: {  	[sflag:s12] =	ssyncadd.s32 $0xFFFFE2A0  }
0x3a: {  	_ =	sfence.sel $0x180000  }
0x3b: {  	[bflag:$0x0] =	sbarrier.arrive $0xFFFF  }
0x3c: {  	p0 =	sne.s32 s1, $0x0;
	_ =	strace $0x90000047  }
0x3d: {  	s0 =	sadd.s32 @!p0 $0x100000, s0;
	[bflag:$0x2] =	sbarrier.arrive $0xFFFF  }
0x3e: {  	[sflag:s0] =	ssyncadd.tile.s32 @!p0 $0x1;
	_ =	shalt  }
.Lfunc_end2:
_tile_overlayer_lowered:
.L_overlay_start_2:
0x3f: {  	(tag) =	ssettag $0x2  }
0x40: {  	s0 =	rddreg [dreg:$0x0];
	s2 =	stileid.u32  }
0x41: {  	s1 =	rddreg [dreg:$0x1];
	p0 =	sne.s32 s2, $0x0  }
0x42: {  	s3 =	rddreg [dreg:$0x2];
	[bflag:$0x3] =	sbarrier.arrive $0xFFFF;
	s2 =	simm.s32 @!p0 $0x1C02  }
0x43: {  	[timem:s3], [sflag:s2] =	dma.local @!p0 [hbm:s0], s1  }
0x44: {  	s0 =	simm.s32 @!p0 $0x2  }
0x45: {  	_ =	swait.ge @!p0 [sflag:s0], s1  }
0x46: {  	s1 =	ssub.s32 @!p0 $0x0, s1;
	[sflag:s0] =	ssyncset.done @!p0 $0x0  }
0x47: {  	[sflag:s0] =	ssyncadd.s32 @!p0 s1  }
0x48: {  	[bflag:$0x3] =	sbarrier.arrive $0xFFFF  }
0x49: {  	_ =	shalt  }

</sc_bundles>
